<compile_context>
chip_gen: v7x
topology: tpu7x:2x2x1
jax: 0.10.2.dev20260603
libtpu: 0.0.44.dev20260713+nightly
codegen_flags: <defaults>
</compile_context>

<pallas_src>
import functools

import jax
import jax.numpy as jnp
from jax import lax
from jax.experimental import pallas as pl
from jax.experimental.pallas import tpu as pltpu
from jax.experimental.pallas import tpu_sc as plsc

N, E, D = 10000, 320000, 128
NC, NS, L = 2, 16, 16
NW = NC * NS
D2 = D // NC
EPT = E // NW
CH = 80
EPT2 = ((E // NS + CH - 1) // CH) * CH
PAD = EPT2 - E // NS
NCHUNK = EPT2 // CH
SRT = 624
TAIL = N - NS * SRT
ZR = 208

_mesh = plsc.VectorSubcoreMesh(core_axis_name="c", subcore_axis_name="s")
_sc_params = pltpu.CompilerParams(needs_layout_passes=False,
                                  use_tc_tiling_on_sc=False)


@functools.partial(
    pl.kernel,
    out_type=jax.ShapeDtypeStruct((NW * N,), jnp.float32),
    mesh=_mesh,
    compiler_params=_sc_params,
    scratch_types=[
        pltpu.VMEM((EPT,), jnp.int32),
        pltpu.VMEM((EPT,), jnp.float32),
        pltpu.VMEM((N,), jnp.float32),
    ],
)
def _deg_kernel(col_hbm, ew_hbm, out_hbm, colv, eww, degv):
    cid = lax.axis_index("c")
    sid = lax.axis_index("s")
    wid = sid * NC + cid

    def zero(i, _):
        degv[pl.ds(i * L, L)] = jnp.zeros((L,), jnp.float32)
        return 0
    lax.fori_loop(0, N // L, zero, 0)

    pltpu.sync_copy(col_hbm.at[pl.ds(wid * EPT, EPT)], colv)
    pltpu.sync_copy(ew_hbm.at[pl.ds(wid * EPT, EPT)], eww)

    def body(j, _):
        c = colv[pl.ds(j * L, L)]
        w = eww[pl.ds(j * L, L)]
        plsc.addupdate_scatter(degv, [c], w)
        return 0
    lax.fori_loop(0, EPT // L, body, 0)

    pltpu.sync_copy(degv, out_hbm.at[pl.ds(wid * N, N)])



@functools.partial(
    pl.kernel,
    out_type=jax.ShapeDtypeStruct((NC, N, D2), jnp.float32),
    mesh=_mesh,
    compiler_params=_sc_params,
    scratch_types=[
        pltpu.VMEM((EPT2,), jnp.int32),
        pltpu.VMEM((NCHUNK, CH), jnp.int32),
        pltpu.VMEM((EPT2,), jnp.float32),
        pltpu.VMEM((CH, 32), jnp.float32),
        pltpu.VMEM((CH, 32), jnp.float32),
        pltpu.VMEM((CH, 32), jnp.float32),
        pltpu.VMEM((ZR, D2), jnp.float32),
        pltpu.VMEM_SHARED((N, D2), jnp.float32),
        pltpu.SemaphoreType.DMA,
        pltpu.SemaphoreType.DMA,
        pltpu.SemaphoreType.DMA,
        pltpu.SemaphoreType.DMA,
        pltpu.SemaphoreType.DMA,
        pltpu.SemaphoreType.DMA,
    ],
)
def _agg_kernel(row_hbm, col_hbm, ew_hbm, xws_hbm, out_hbm,
                rowv, colv, eww, buf0, buf1, buf2, zbuf, acc_sh,
                gs0, gs1, gs2, ss0, ss1, ss2):
    cid = lax.axis_index("c")
    sid = lax.axis_index("s")

    def zfill(i, _):
        r = i // (D2 // L)
        k = i % (D2 // L)
        zbuf[r, pl.ds(k * L, L)] = jnp.zeros((L,), jnp.float32)
        return 0
    lax.fori_loop(0, ZR * (D2 // L), zfill, 0)
    for z in range(SRT // ZR):
        pltpu.sync_copy(zbuf, acc_sh.at[pl.ds(sid * SRT + z * ZR, ZR)])

    @pl.when(sid == 0)
    def _():
        pltpu.sync_copy(zbuf.at[pl.ds(0, TAIL)],
                        acc_sh.at[pl.ds(NS * SRT, TAIL)])

    pltpu.sync_copy(row_hbm.at[pl.ds(sid * EPT2, EPT2)], rowv)
    pltpu.sync_copy(col_hbm.at[sid], colv)
    pltpu.sync_copy(ew_hbm.at[pl.ds(sid * EPT2, EPT2)], eww)

    def to_half(i, _):
        v = rowv[pl.ds(i * L, L)]
        rowv[pl.ds(i * L, L)] = v * 4 + cid * 2
        return 0
    lax.fori_loop(0, EPT2 // L, to_half, 0)

    plsc.subcore_barrier()

    def gather_start(j, buf, sem):
        pltpu.async_copy(xws_hbm.at[rowv.at[pl.ds(j * CH, CH)]], buf, sem)

    def gather_wait(j, buf, sem):
        pltpu.make_async_copy(xws_hbm.at[rowv.at[pl.ds(j * CH, CH)]], buf,
                              sem).wait()

    def scale(j, buf):
        jb = j * CH

        @plsc.parallel_loop(0, CH // L, unroll=5)
        def per_group(g):
            w16 = eww[pl.ds(jb + g * L, L)]
            for e in range(L):
                s = w16[e]
                r = g * L + e
                for k in range(D2 // L):
                    buf[r, pl.ds(k * L, L)] = buf[r, pl.ds(k * L, L)] * s

    def scatter_start(j, buf, sem):
        pass

    def scatter_wait(j, buf, sem):
        pass

    bufs = (buf0, buf1, buf2)
    gsems = (gs0, gs1, gs2)
    ssems = (ss0, ss1, ss2)
    NB = 3

    def step(j, _):
        m = lax.rem(j + 2 * NB, NB)
        for o in range(NB):
            p = (o + 2) % NB

            @pl.when(m == o)
            def _(o=o, p=p):
                @pl.when((j >= 0) & (j < NCHUNK))
                def _():
                    gather_wait(j, bufs[o], gsems[o])
                    scatter_start(j, bufs[o], ssems[o])

                @pl.when(j >= 1)
                def _():
                    scatter_wait(j - 1, bufs[p], ssems[p])

                @pl.when(j + 2 < NCHUNK)
                def _():
                    gather_start(j + 2, bufs[p], gsems[p])
        return 0
    lax.fori_loop(-2, NCHUNK + 1, step, 0)

    plsc.subcore_barrier()
    pltpu.sync_copy(acc_sh.at[pl.ds(sid * SRT, SRT)],
                    out_hbm.at[cid, pl.ds(sid * SRT, SRT)])

    @pl.when(sid == 0)
    def _():
        pltpu.sync_copy(acc_sh.at[pl.ds(NS * SRT, TAIL)],
                        out_hbm.at[cid, pl.ds(NS * SRT, TAIL)])



def _k2_body(degp, emb, w1, dinv_ref, xws_ref):
    deg = jnp.sum(degp[...], axis=0) + 1.0
    dinv = lax.rsqrt(deg)
    dinv_ref[...] = dinv
    xw = jnp.dot(emb[...], w1[...], preferred_element_type=jnp.float32)
    xws_ref[...] = xw * dinv[:, None]


def _k4_body(accp, xws1, dinv, b1, gamma, beta, w2, h_ref, xws2_ref):
    a = accp[...]
    acc = jnp.concatenate([a[0], a[1]], axis=1)
    dv = dinv[...][:, None]
    pre = dv * (acc + xws1[...]) + b1[...][None, :]
    mean = jnp.mean(pre, axis=0)
    var = jnp.mean((pre - mean[None, :]) ** 2, axis=0)
    hb = (pre - mean[None, :]) * lax.rsqrt(var + 1e-5)[None, :] \
        * gamma[...][None, :] + beta[...][None, :]
    h = jnp.where(hb > 0, hb, jnp.exp(jnp.minimum(hb, 0.0)) - 1.0)
    h_ref[...] = h
    xw2 = jnp.dot(h, w2[...], preferred_element_type=jnp.float32)
    xws2_ref[...] = xw2 * dv


def _k6_body(accp, xws2, dinv, b2, emb, h, out_ref):
    a = accp[...]
    acc = jnp.concatenate([a[0], a[1]], axis=1)
    h2 = dinv[...][:, None] * (acc + xws2[...]) + b2[...][None, :]
    out_ref[...] = (emb[...] + h[...] + h2) * (1.0 / 3.0)



def kernel(emb, edge_index, edge_weight, W1, b1, gamma, beta, W2, b2):
    row1 = edge_index[0]
    col1 = edge_index[1]
    pad2 = ((0, 0), (0, PAD))
    rowp = jnp.pad(row1.reshape(NS, E // NS), pad2).reshape(-1)
    colp = jnp.pad(col1.reshape(NS, E // NS), pad2)
    ewp = jnp.pad(edge_weight.reshape(NS, E // NS), pad2).reshape(-1)
    col3 = colp.reshape(NS, NCHUNK, CH)

    degp = _deg_kernel(col1, edge_weight).reshape(NW, N)

    dinv, xws1 = pl.pallas_call(
        _k2_body,
        out_shape=(jax.ShapeDtypeStruct((N,), jnp.float32),
                   jax.ShapeDtypeStruct((N, D), jnp.float32)),
    )(degp, emb, W1)

    acc1 = _agg_kernel(rowp, col3, ewp, xws1.reshape(4 * N, 32))

    h, xws2 = pl.pallas_call(
        _k4_body,
        out_shape=(jax.ShapeDtypeStruct((N, D), jnp.float32),
                   jax.ShapeDtypeStruct((N, D), jnp.float32)),
    )(acc1, xws1, dinv, b1, gamma, beta, W2)

    acc2 = _agg_kernel(rowp, col3, ewp, xws2.reshape(4 * N, 32))

    out = pl.pallas_call(
        _k6_body,
        out_shape=jax.ShapeDtypeStruct((N, D), jnp.float32),
    )(acc2, xws2, dinv, b2, emb, h)
    return out

# --- scband reference (transcript-rebuilt; emitter-appended) ---
"""Pipeline reference for scband-gcnnetwork-15487652069901 (READ-ONLY COPY).

The authoritative reference and input builder live on the scoring server;
editing this copy changes nothing except your own understanding.
"""

import jax, jax.numpy as jnp
import numpy as np

N, E, D = 10000, 320000, 128


def setup_inputs(seed: int = 0) -> dict:
    key = jax.random.key(seed)
    ks = jax.random.split(key, 8)
    emb = jax.random.normal(ks[0], (N, D), dtype=jnp.float32)
    edge_index = jax.random.randint(ks[1], (2, E), 0, N, dtype=jnp.int32)
    edge_weight = jax.random.uniform(ks[2], (E,), dtype=jnp.float32)
    scale = 1.0 / np.sqrt(D)
    W1 = jax.random.normal(ks[3], (D, D), dtype=jnp.float32) * scale
    b1 = jnp.zeros((D,), dtype=jnp.float32)
    gamma = jnp.ones((D,), dtype=jnp.float32)
    beta = jnp.zeros((D,), dtype=jnp.float32)
    W2 = jax.random.normal(ks[4], (D, D), dtype=jnp.float32) * scale
    b2 = jnp.zeros((D,), dtype=jnp.float32)
    return {"emb": emb, "edge_index": edge_index, "edge_weight": edge_weight,
            "W1": W1, "b1": b1, "gamma": gamma, "beta": beta, "W2": W2, "b2": b2}


def _gcn_conv(x, edge_index, edge_weight, W, b):
    # PyG GCNConv with add_self_loops=True, normalize=True
    row = edge_index[0]
    col = edge_index[1]
    loop = jnp.arange(N, dtype=edge_index.dtype)
    row = jnp.concatenate([row, loop])
    col = jnp.concatenate([col, loop])
    ew = jnp.concatenate([edge_weight, jnp.ones((N,), dtype=edge_weight.dtype)])
    deg = jnp.zeros((N,), dtype=x.dtype).at[col].add(ew)
    dinv = jax.lax.rsqrt(deg)  # deg >= 1 due to self-loops with weight 1
    norm = dinv[row] * ew * dinv[col]
    xw = x @ W
    msg = xw[row] * norm[:, None]
    out = jnp.zeros_like(xw).at[col].add(msg)
    return out + b


def _batchnorm(h, gamma, beta, eps=1e-5):
    mean = jnp.mean(h, axis=0)
    var = jnp.mean((h - mean) ** 2, axis=0)
    return (h - mean) * jax.lax.rsqrt(var + eps) * gamma + beta


def reference(emb, edge_index, edge_weight, W1, b1, gamma, beta, W2, b2):
    # Note: zip(layer_stack, batchnorm_stack) runs exactly ONE iteration
    # (batchnorm_stack has a single entry, built only for the last layer),
    # then layer_stack[-1] is applied once more. Dropout is eval-mode (identity);
    # dropedge_adj is None so no edge dropout.
    fusion = [emb[:, :, None]]
    h = _gcn_conv(emb, edge_index, edge_weight, W1, b1)
    h = _batchnorm(h, gamma, beta)
    h = jax.nn.elu(h)
    fusion.append(h[:, :, None])
    h2 = _gcn_conv(h, edge_index, edge_weight, W2, b2)
    fusion.append(h2[:, :, None])
    return jnp.mean(jnp.concatenate(fusion, axis=2), axis=2)

if __name__ == "__main__":
    import jax
    _d = setup_inputs()
    print(jax.jit(kernel)(*tuple(_d.values())))

</pallas_src>

<mosaic_0001>
#map = affine_map<(d0, d1) -> (0)>
module attributes {stable_mosaic.version = 14 : i64} {
  func.func @_deg_kernel(%arg0: i32, %arg1: i32, %arg2: memref<320000xi32, #tpu.memory_space<hbm>>, %arg3: memref<320000xf32, #tpu.memory_space<hbm>>, %arg4: memref<320000xf32, #tpu.memory_space<hbm>>, %arg5: memref<10000xi32, #tpu.memory_space<vmem>>, %arg6: memref<10000xf32, #tpu.memory_space<vmem>>, %arg7: memref<10000xf32, #tpu.memory_space<vmem>>) attributes {dimension_semantics = [#tpu.dimension_semantics<core_parallel>, #tpu.dimension_semantics<subcore_parallel>], iteration_bounds = array<i64: 2, 16>, scalar_prefetch = 0 : i64, scratch_operands = 3 : i64, tpu.core_type = #tpu.core_type<sc_vector_subcore>, window_params = [{transform_indices = #map}, {transform_indices = #map}, {transform_indices = #map}]} {
    %mul3A = arith.constant 2 : i32
    %mul3A_0 = arith.muli %arg1, %mul3A : i32
    %add3A = arith.addi %mul3A_0, %arg0 : i32
    %scan3A = arith.constant 0 : i32
    %scan3A_1 = arith.constant 0 : i32
    %scan3A_2 = arith.constant 625 : i32
    %scan3A_3 = arith.addi %scan3A_1, %scan3A_2 : i32
    %scan3A_4 = arith.constant 1 : i32
    %scan3A_5 = scf.for %scan3A_20 = %scan3A_1 to %scan3A_3 step %scan3A_4 iter_args(%scan3A_21 = %scan3A) -> (i32)  : i32 {
      %broadcast_in_dim3A = arith.constant 0.000000e+00 : f32
      %broadcast_in_dim3A_22 = vector.broadcast %broadcast_in_dim3A : f32 to vector<16xf32>
      %mul3A_23 = arith.constant 16 : i32
      %mul3A_24 = arith.muli %scan3A_20, %mul3A_23 : i32
      %swap3A = arith.index_cast %mul3A_24 : i32 to index
      %swap3A_25 = tpu.vector_load %arg7[%swap3A] {strides = array<i32>} : memref<10000xf32, #tpu.memory_space<vmem>>, vector<16xf32>,
      tpu.vector_store %arg7[%swap3A], %broadcast_in_dim3A_22 {strides = array<i32>} : memref<10000xf32, #tpu.memory_space<vmem>>, vector<16xf32>,
      %scan3A_26 = arith.constant 0 : i32
      scf.yield %scan3A_26 : i32
    }
    %scan3A_6 = arith.constant 625 : i32
    %mul3A_7 = arith.constant 10000 : i32
    %mul3A_8 = arith.muli %add3A, %mul3A_7 : i32
    "tpu.region"() ({
      %run_scoped3A = tpu.sem_alloc : memref<!tpu.dma_semaphore, #tpu.memory_space<semaphore_mem>>
      %dma_start3A = tpu.memref_slice %arg2[%mul3A_8] : memref<320000xi32, #tpu.memory_space<hbm>> -> memref<10000xi32, #tpu.memory_space<hbm>>
      %dma_start3A_20 = tpu.memref_slice %arg2[%mul3A_8] : memref<320000xi32, #tpu.memory_space<hbm>> -> memref<10000xi32, #tpu.memory_space<hbm>>
      tpu.enqueue_dma source(%dma_start3A_20 : memref<10000xi32, #tpu.memory_space<hbm>>) target(%arg5 : memref<10000xi32, #tpu.memory_space<vmem>>) target_semaphore(%run_scoped3A : memref<!tpu.dma_semaphore, #tpu.memory_space<semaphore_mem>>)
      %dma_wait3A = tpu.memref_slice %arg2[%mul3A_8] : memref<320000xi32, #tpu.memory_space<hbm>> -> memref<10000xi32, #tpu.memory_space<hbm>>
      %dma_wait3A_21 = tpu.memref_slice %arg2[%mul3A_8] : memref<320000xi32, #tpu.memory_space<hbm>> -> memref<10000xi32, #tpu.memory_space<hbm>>
      tpu.wait_dma2 semaphore(%run_scoped3A : memref<!tpu.dma_semaphore, #tpu.memory_space<semaphore_mem>>) src(%dma_wait3A_21 : memref<10000xi32, #tpu.memory_space<hbm>>) dst(%arg5 : memref<10000xi32, #tpu.memory_space<vmem>>)
      tpu.yield
    }) : () -> ()
    %mul3A_9 = arith.constant 10000 : i32
    %mul3A_10 = arith.muli %add3A, %mul3A_9 : i32
    "tpu.region"() ({
      %run_scoped3A = tpu.sem_alloc : memref<!tpu.dma_semaphore, #tpu.memory_space<semaphore_mem>>
      %dma_start3A = tpu.memref_slice %arg3[%mul3A_10] : memref<320000xf32, #tpu.memory_space<hbm>> -> memref<10000xf32, #tpu.memory_space<hbm>>
      %dma_start3A_20 = tpu.memref_slice %arg3[%mul3A_10] : memref<320000xf32, #tpu.memory_space<hbm>> -> memref<10000xf32, #tpu.memory_space<hbm>>
      tpu.enqueue_dma source(%dma_start3A_20 : memref<10000xf32, #tpu.memory_space<hbm>>) target(%arg6 : memref<10000xf32, #tpu.memory_space<vmem>>) target_semaphore(%run_scoped3A : memref<!tpu.dma_semaphore, #tpu.memory_space<semaphore_mem>>)
      %dma_wait3A = tpu.memref_slice %arg3[%mul3A_10] : memref<320000xf32, #tpu.memory_space<hbm>> -> memref<10000xf32, #tpu.memory_space<hbm>>
      %dma_wait3A_21 = tpu.memref_slice %arg3[%mul3A_10] : memref<320000xf32, #tpu.memory_space<hbm>> -> memref<10000xf32, #tpu.memory_space<hbm>>
      tpu.wait_dma2 semaphore(%run_scoped3A : memref<!tpu.dma_semaphore, #tpu.memory_space<semaphore_mem>>) src(%dma_wait3A_21 : memref<10000xf32, #tpu.memory_space<hbm>>) dst(%arg6 : memref<10000xf32, #tpu.memory_space<vmem>>)
      tpu.yield
    }) : () -> ()
    %scan3A_11 = arith.constant 0 : i32
    %scan3A_12 = arith.constant 0 : i32
    %scan3A_13 = arith.constant 625 : i32
    %scan3A_14 = arith.addi %scan3A_12, %scan3A_13 : i32
    %scan3A_15 = arith.constant 1 : i32
    %scan3A_16 = scf.for %scan3A_20 = %scan3A_12 to %scan3A_14 step %scan3A_15 iter_args(%scan3A_21 = %scan3A_11) -> (i32)  : i32 {
      %mul3A_22 = arith.constant 16 : i32
      %mul3A_23 = arith.muli %scan3A_20, %mul3A_22 : i32
      %get3A = arith.index_cast %mul3A_23 : i32 to index
      %get3A_24 = tpu.vector_load %arg5[%get3A] {strides = array<i32>} : memref<10000xi32, #tpu.memory_space<vmem>>, vector<16xi32>,
      %mul3A_25 = arith.constant 16 : i32
      %mul3A_26 = arith.muli %scan3A_20, %mul3A_25 : i32
      %get3A_27 = arith.index_cast %mul3A_26 : i32 to index
      %get3A_28 = tpu.vector_load %arg6[%get3A_27] {strides = array<i32>} : memref<10000xf32, #tpu.memory_space<vmem>>, vector<16xf32>,
      tpu.vector_store_idx %arg7[%get3A_24], %get3A_28 {add = true} : memref<10000xf32, #tpu.memory_space<vmem>>[vector<16xi32>], vector<16xf32>,
      %scan3A_29 = arith.constant 0 : i32
      scf.yield %scan3A_29 : i32
    }
    %scan3A_17 = arith.constant 625 : i32
    %mul3A_18 = arith.constant 10000 : i32
    %mul3A_19 = arith.muli %add3A, %mul3A_18 : i32
    "tpu.region"() ({
      %run_scoped3A = tpu.sem_alloc : memref<!tpu.dma_semaphore, #tpu.memory_space<semaphore_mem>>
      %dma_start3A = tpu.memref_slice %arg4[%mul3A_19] : memref<320000xf32, #tpu.memory_space<hbm>> -> memref<10000xf32, #tpu.memory_space<hbm>>
      %dma_start3A_20 = tpu.memref_slice %arg4[%mul3A_19] : memref<320000xf32, #tpu.memory_space<hbm>> -> memref<10000xf32, #tpu.memory_space<hbm>>
      tpu.enqueue_dma source(%arg7 : memref<10000xf32, #tpu.memory_space<vmem>>) target(%dma_start3A_20 : memref<10000xf32, #tpu.memory_space<hbm>>) target_semaphore(%run_scoped3A : memref<!tpu.dma_semaphore, #tpu.memory_space<semaphore_mem>>)
      %dma_wait3A = tpu.memref_slice %arg4[%mul3A_19] : memref<320000xf32, #tpu.memory_space<hbm>> -> memref<10000xf32, #tpu.memory_space<hbm>>
      %dma_wait3A_21 = tpu.memref_slice %arg4[%mul3A_19] : memref<320000xf32, #tpu.memory_space<hbm>> -> memref<10000xf32, #tpu.memory_space<hbm>>
      tpu.wait_dma2 semaphore(%run_scoped3A : memref<!tpu.dma_semaphore, #tpu.memory_space<semaphore_mem>>) src(%arg7 : memref<10000xf32, #tpu.memory_space<vmem>>) dst(%dma_wait3A_21 : memref<10000xf32, #tpu.memory_space<hbm>>)
      tpu.yield
    }) : () -> ()
    return
  }
}

#map = affine_map<(d0, d1) -> (0)>
#map1 = affine_map<(d0, d1) -> (0, 0, 0)>
#map2 = affine_map<(d0, d1) -> (0, 0)>
module attributes {stable_mosaic.version = 14 : i64} {
  func.func @_agg_kernel(%arg0: i32, %arg1: i32, %arg2: memref<320000xi32, #tpu.memory_space<hbm>>, %arg3: memref<16x250x80xi32, #tpu.memory_space<hbm>>, %arg4: memref<320000xf32, #tpu.memory_space<hbm>>, %arg5: memref<40000x32xf32, #tpu.memory_space<hbm>>, %arg6: memref<2x10000x64xf32, #tpu.memory_space<hbm>>, %arg7: memref<20000xi32, #tpu.memory_space<vmem>>, %arg8: memref<250x80xi32, #tpu.memory_space<vmem>>, %arg9: memref<20000xf32, #tpu.memory_space<vmem>>, %arg10: memref<80x32xf32, #tpu.memory_space<vmem>>, %arg11: memref<80x32xf32, #tpu.memory_space<vmem>>, %arg12: memref<80x32xf32, #tpu.memory_space<vmem>>, %arg13: memref<208x64xf32, #tpu.memory_space<vmem>>, %arg14: memref<10000x64xf32, #tpu.memory_space<vmem_shared>>, %arg15: memref<!tpu.dma_semaphore, #tpu.memory_space<semaphore_mem>>, %arg16: memref<!tpu.dma_semaphore, #tpu.memory_space<semaphore_mem>>, %arg17: memref<!tpu.dma_semaphore, #tpu.memory_space<semaphore_mem>>, %arg18: memref<!tpu.dma_semaphore, #tpu.memory_space<semaphore_mem>>, %arg19: memref<!tpu.dma_semaphore, #tpu.memory_space<semaphore_mem>>, %arg20: memref<!tpu.dma_semaphore, #tpu.memory_space<semaphore_mem>>) attributes {dimension_semantics = [#tpu.dimension_semantics<core_parallel>, #tpu.dimension_semantics<subcore_parallel>], iteration_bounds = array<i64: 2, 16>, scalar_prefetch = 0 : i64, scratch_operands = 14 : i64, tpu.core_type = #tpu.core_type<sc_vector_subcore>, window_params = [{transform_indices = #map}, {transform_indices = #map1}, {transform_indices = #map}, {transform_indices = #map2}, {transform_indices = #map1}]} {
    %scan3A = arith.constant 0 : i32
    %scan3A_0 = arith.constant 0 : i32
    %scan3A_1 = arith.constant 832 : i32
    %scan3A_2 = arith.addi %scan3A_0, %scan3A_1 : i32
    %scan3A_3 = arith.constant 1 : i32
    %scan3A_4 = scf.for %scan3A_46 = %scan3A_0 to %scan3A_2 step %scan3A_3 iter_args(%scan3A_47 = %scan3A) -> (i32)  : i32 {
      %jit3A = arith.constant 4 : i32
      %div3A = arith.divsi %scan3A_46, %jit3A : i32
      %sign3A = arith.constant 0 : i32
      %sign3A_48 = arith.cmpi sgt, %scan3A_46, %sign3A : i32
      %sign3A_49 = arith.extui %sign3A_48 : i1 to i32
      %sign3A_50 = arith.constant 0 : i32
      %sign3A_51 = arith.cmpi slt, %scan3A_46, %sign3A_50 : i32
      %sign3A_52 = arith.extui %sign3A_51 : i1 to i32
      %sign3A_53 = arith.subi %sign3A_49, %sign3A_52 : i32
      %sign3A_54 = arith.constant 0 : i32
      %sign3A_55 = arith.cmpi sgt, %jit3A, %sign3A_54 : i32
      %sign3A_56 = arith.extui %sign3A_55 : i1 to i32
      %sign3A_57 = arith.constant 0 : i32
      %sign3A_58 = arith.cmpi slt, %jit3A, %sign3A_57 : i32
      %sign3A_59 = arith.extui %sign3A_58 : i1 to i32
      %sign3A_60 = arith.subi %sign3A_56, %sign3A_59 : i32
      %ne3A = arith.cmpi ne, %sign3A_53, %sign3A_60 : i32
      %rem3A = arith.remsi %scan3A_46, %jit3A : i32
      %ne3A_61 = arith.constant 0 : i32
      %ne3A_62 = arith.cmpi ne, %rem3A, %ne3A_61 : i32
      %and3A = arith.andi %ne3A, %ne3A_62 : i1
      %sub3A = arith.constant 1 : i32
      %sub3A_63 = arith.subi %div3A, %sub3A : i32
      %select_n3A = arith.select %and3A, %sub3A_63, %div3A : i32
      %jit3A_64 = arith.constant 4 : i32
      %eq3A_65 = arith.constant 0 : i32
      %eq3A_66 = arith.cmpi eq, %jit3A_64, %eq3A_65 : i32
      %jit3A_67 = arith.constant 1 : i32
      %select_n3A_68 = arith.select %eq3A_66, %jit3A_67, %jit3A_64 : i32
      %rem3A_69 = arith.remsi %scan3A_46, %select_n3A_68 : i32
      %ne3A_70 = arith.constant 0 : i32
      %ne3A_71 = arith.cmpi ne, %rem3A_69, %ne3A_70 : i32
      %lt3A = arith.constant 0 : i32
      %lt3A_72 = arith.cmpi slt, %rem3A_69, %lt3A : i32
      %lt3A_73 = arith.constant 0 : i32
      %lt3A_74 = arith.cmpi slt, %select_n3A_68, %lt3A_73 : i32
      %ne3A_75 = arith.xori %lt3A_72, %lt3A_74 : i1
      %and3A_76 = arith.andi %ne3A_75, %ne3A_71 : i1
      %add3A_77 = arith.addi %rem3A_69, %select_n3A_68 : i32
      %select_n3A_78 = arith.select %and3A_76, %add3A_77, %rem3A_69 : i32
      %broadcast_in_dim3A = arith.constant 0.000000e+00 : f32
      %broadcast_in_dim3A_79 = vector.broadcast %broadcast_in_dim3A : f32 to vector<16xf32>
      %mul3A_80 = arith.constant 16 : i32
      %mul3A_81 = arith.muli %select_n3A_78, %mul3A_80 : i32
      %swap3A = arith.index_cast %select_n3A : i32 to index
      %swap3A_82 = arith.index_cast %mul3A_81 : i32 to index
      %swap3A_83 = tpu.vector_load %arg13[%swap3A, %swap3A_82] {strides = array<i32>} : memref<208x64xf32, #tpu.memory_space<vmem>>, vector<16xf32>,
      tpu.vector_store %arg13[%swap3A, %swap3A_82], %broadcast_in_dim3A_79 {strides = array<i32>} : memref<208x64xf32, #tpu.memory_space<vmem>>, vector<16xf32>,
      %scan3A_84 = arith.constant 0 : i32
      scf.yield %scan3A_84 : i32
    }
    %scan3A_5 = arith.constant 832 : i32
    %mul3A = arith.constant 624 : i32
    %mul3A_6 = arith.muli %arg1, %mul3A : i32
    %add3A = arith.constant 0 : i32
    %add3A_7 = arith.addi %mul3A_6, %add3A : i32
    "tpu.region"() ({
      %run_scoped3A = tpu.sem_alloc : memref<!tpu.dma_semaphore, #tpu.memory_space<semaphore_mem>>
      %dma_start3A = arith.constant 0 : i32
      %dma_start3A_46 = tpu.memref_slice %arg14[%add3A_7, %dma_start3A] : memref<10000x64xf32, #tpu.memory_space<vmem_shared>> -> memref<208x64xf32, #tpu.memory_space<vmem_shared>>
      %dma_start3A_47 = arith.constant 0 : i32
      %dma_start3A_48 = tpu.memref_slice %arg14[%add3A_7, %dma_start3A_47] : memref<10000x64xf32, #tpu.memory_space<vmem_shared>> -> memref<208x64xf32, #tpu.memory_space<vmem_shared>>
      tpu.enqueue_dma source(%arg13 : memref<208x64xf32, #tpu.memory_space<vmem>>) target(%dma_start3A_48 : memref<208x64xf32, #tpu.memory_space<vmem_shared>>) target_semaphore(%run_scoped3A : memref<!tpu.dma_semaphore, #tpu.memory_space<semaphore_mem>>)
      %dma_wait3A = arith.constant 0 : i32
      %dma_wait3A_49 = tpu.memref_slice %arg14[%add3A_7, %dma_wait3A] : memref<10000x64xf32, #tpu.memory_space<vmem_shared>> -> memref<208x64xf32, #tpu.memory_space<vmem_shared>>
      %dma_wait3A_50 = arith.constant 0 : i32
      %dma_wait3A_51 = tpu.memref_slice %arg14[%add3A_7, %dma_wait3A_50] : memref<10000x64xf32, #tpu.memory_space<vmem_shared>> -> memref<208x64xf32, #tpu.memory_space<vmem_shared>>
      tpu.wait_dma2 semaphore(%run_scoped3A : memref<!tpu.dma_semaphore, #tpu.memory_space<semaphore_mem>>) src(%arg13 : memref<208x64xf32, #tpu.memory_space<vmem>>) dst(%dma_wait3A_51 : memref<208x64xf32, #tpu.memory_space<vmem_shared>>)
      tpu.yield
    }) : () -> ()
    %mul3A_8 = arith.constant 624 : i32
    %mul3A_9 = arith.muli %arg1, %mul3A_8 : i32
    %add3A_10 = arith.constant 208 : i32
    %add3A_11 = arith.addi %mul3A_9, %add3A_10 : i32
    "tpu.region"() ({
      %run_scoped3A = tpu.sem_alloc : memref<!tpu.dma_semaphore, #tpu.memory_space<semaphore_mem>>
      %dma_start3A = arith.constant 0 : i32
      %dma_start3A_46 = tpu.memref_slice %arg14[%add3A_11, %dma_start3A] : memref<10000x64xf32, #tpu.memory_space<vmem_shared>> -> memref<208x64xf32, #tpu.memory_space<vmem_shared>>
      %dma_start3A_47 = arith.constant 0 : i32
      %dma_start3A_48 = tpu.memref_slice %arg14[%add3A_11, %dma_start3A_47] : memref<10000x64xf32, #tpu.memory_space<vmem_shared>> -> memref<208x64xf32, #tpu.memory_space<vmem_shared>>
      tpu.enqueue_dma source(%arg13 : memref<208x64xf32, #tpu.memory_space<vmem>>) target(%dma_start3A_48 : memref<208x64xf32, #tpu.memory_space<vmem_shared>>) target_semaphore(%run_scoped3A : memref<!tpu.dma_semaphore, #tpu.memory_space<semaphore_mem>>)
      %dma_wait3A = arith.constant 0 : i32
      %dma_wait3A_49 = tpu.memref_slice %arg14[%add3A_11, %dma_wait3A] : memref<10000x64xf32, #tpu.memory_space<vmem_shared>> -> memref<208x64xf32, #tpu.memory_space<vmem_shared>>
      %dma_wait3A_50 = arith.constant 0 : i32
      %dma_wait3A_51 = tpu.memref_slice %arg14[%add3A_11, %dma_wait3A_50] : memref<10000x64xf32, #tpu.memory_space<vmem_shared>> -> memref<208x64xf32, #tpu.memory_space<vmem_shared>>
      tpu.wait_dma2 semaphore(%run_scoped3A : memref<!tpu.dma_semaphore, #tpu.memory_space<semaphore_mem>>) src(%arg13 : memref<208x64xf32, #tpu.memory_space<vmem>>) dst(%dma_wait3A_51 : memref<208x64xf32, #tpu.memory_space<vmem_shared>>)
      tpu.yield
    }) : () -> ()
    %mul3A_12 = arith.constant 624 : i32
    %mul3A_13 = arith.muli %arg1, %mul3A_12 : i32
    %add3A_14 = arith.constant 416 : i32
    %add3A_15 = arith.addi %mul3A_13, %add3A_14 : i32
    "tpu.region"() ({
      %run_scoped3A = tpu.sem_alloc : memref<!tpu.dma_semaphore, #tpu.memory_space<semaphore_mem>>
      %dma_start3A = arith.constant 0 : i32
      %dma_start3A_46 = tpu.memref_slice %arg14[%add3A_15, %dma_start3A] : memref<10000x64xf32, #tpu.memory_space<vmem_shared>> -> memref<208x64xf32, #tpu.memory_space<vmem_shared>>
      %dma_start3A_47 = arith.constant 0 : i32
      %dma_start3A_48 = tpu.memref_slice %arg14[%add3A_15, %dma_start3A_47] : memref<10000x64xf32, #tpu.memory_space<vmem_shared>> -> memref<208x64xf32, #tpu.memory_space<vmem_shared>>
      tpu.enqueue_dma source(%arg13 : memref<208x64xf32, #tpu.memory_space<vmem>>) target(%dma_start3A_48 : memref<208x64xf32, #tpu.memory_space<vmem_shared>>) target_semaphore(%run_scoped3A : memref<!tpu.dma_semaphore, #tpu.memory_space<semaphore_mem>>)
      %dma_wait3A = arith.constant 0 : i32
      %dma_wait3A_49 = tpu.memref_slice %arg14[%add3A_15, %dma_wait3A] : memref<10000x64xf32, #tpu.memory_space<vmem_shared>> -> memref<208x64xf32, #tpu.memory_space<vmem_shared>>
      %dma_wait3A_50 = arith.constant 0 : i32
      %dma_wait3A_51 = tpu.memref_slice %arg14[%add3A_15, %dma_wait3A_50] : memref<10000x64xf32, #tpu.memory_space<vmem_shared>> -> memref<208x64xf32, #tpu.memory_space<vmem_shared>>
      tpu.wait_dma2 semaphore(%run_scoped3A : memref<!tpu.dma_semaphore, #tpu.memory_space<semaphore_mem>>) src(%arg13 : memref<208x64xf32, #tpu.memory_space<vmem>>) dst(%dma_wait3A_51 : memref<208x64xf32, #tpu.memory_space<vmem_shared>>)
      tpu.yield
    }) : () -> ()
    %eq3A = arith.constant 0 : i32
    %eq3A_16 = arith.cmpi eq, %arg1, %eq3A : i32
    %convert_element_type3A = arith.extui %eq3A_16 : i1 to i32
    %cond3A = arith.constant 0 : i32
    %cond3A_17 = arith.cmpi ne, %convert_element_type3A, %cond3A : i32
    scf.if %cond3A_17 {
      "tpu.region"() ({
        %run_scoped3A = tpu.sem_alloc : memref<!tpu.dma_semaphore, #tpu.memory_space<semaphore_mem>>
        %dma_start3A = arith.constant 0 : i32
        %dma_start3A_46 = arith.constant 0 : i32
        %dma_start3A_47 = tpu.memref_slice %arg13[%dma_start3A, %dma_start3A_46] : memref<208x64xf32, #tpu.memory_space<vmem>> -> memref<16x64xf32, #tpu.memory_space<vmem>>
        %dma_start3A_48 = arith.constant 9984 : i32
        %dma_start3A_49 = arith.constant 0 : i32
        %dma_start3A_50 = tpu.memref_slice %arg14[%dma_start3A_48, %dma_start3A_49] : memref<10000x64xf32, #tpu.memory_space<vmem_shared>> -> memref<16x64xf32, #tpu.memory_space<vmem_shared>>
        %dma_start3A_51 = arith.constant 9984 : i32
        %dma_start3A_52 = arith.constant 0 : i32
        %dma_start3A_53 = tpu.memref_slice %arg14[%dma_start3A_51, %dma_start3A_52] : memref<10000x64xf32, #tpu.memory_space<vmem_shared>> -> memref<16x64xf32, #tpu.memory_space<vmem_shared>>
        %dma_start3A_54 = arith.constant 0 : i32
        %dma_start3A_55 = arith.constant 0 : i32
        %dma_start3A_56 = tpu.memref_slice %arg13[%dma_start3A_54, %dma_start3A_55] : memref<208x64xf32, #tpu.memory_space<vmem>> -> memref<16x64xf32, #tpu.memory_space<vmem>>
        tpu.enqueue_dma source(%dma_start3A_56 : memref<16x64xf32, #tpu.memory_space<vmem>>) target(%dma_start3A_53 : memref<16x64xf32, #tpu.memory_space<vmem_shared>>) target_semaphore(%run_scoped3A : memref<!tpu.dma_semaphore, #tpu.memory_space<semaphore_mem>>)
        %dma_wait3A = arith.constant 0 : i32
        %dma_wait3A_57 = arith.constant 0 : i32
        %dma_wait3A_58 = tpu.memref_slice %arg13[%dma_wait3A, %dma_wait3A_57] : memref<208x64xf32, #tpu.memory_space<vmem>> -> memref<16x64xf32, #tpu.memory_space<vmem>>
        %dma_wait3A_59 = arith.constant 9984 : i32
        %dma_wait3A_60 = arith.constant 0 : i32
        %dma_wait3A_61 = tpu.memref_slice %arg14[%dma_wait3A_59, %dma_wait3A_60] : memref<10000x64xf32, #tpu.memory_space<vmem_shared>> -> memref<16x64xf32, #tpu.memory_space<vmem_shared>>
        %dma_wait3A_62 = arith.constant 9984 : i32
        %dma_wait3A_63 = arith.constant 0 : i32
        %dma_wait3A_64 = tpu.memref_slice %arg14[%dma_wait3A_62, %dma_wait3A_63] : memref<10000x64xf32, #tpu.memory_space<vmem_shared>> -> memref<16x64xf32, #tpu.memory_space<vmem_shared>>
        %dma_wait3A_65 = arith.constant 0 : i32
        %dma_wait3A_66 = arith.constant 0 : i32
        %dma_wait3A_67 = tpu.memref_slice %arg13[%dma_wait3A_65, %dma_wait3A_66] : memref<208x64xf32, #tpu.memory_space<vmem>> -> memref<16x64xf32, #tpu.memory_space<vmem>>
        tpu.wait_dma2 semaphore(%run_scoped3A : memref<!tpu.dma_semaphore, #tpu.memory_space<semaphore_mem>>) src(%dma_wait3A_67 : memref<16x64xf32, #tpu.memory_space<vmem>>) dst(%dma_wait3A_64 : memref<16x64xf32, #tpu.memory_space<vmem_shared>>)
        tpu.yield
      }) : () -> ()
    } else {
    }
    %mul3A_18 = arith.constant 20000 : i32
    %mul3A_19 = arith.muli %arg1, %mul3A_18 : i32
    "tpu.region"() ({
      %run_scoped3A = tpu.sem_alloc : memref<!tpu.dma_semaphore, #tpu.memory_space<semaphore_mem>>
      %dma_start3A = tpu.memref_slice %arg2[%mul3A_19] : memref<320000xi32, #tpu.memory_space<hbm>> -> memref<20000xi32, #tpu.memory_space<hbm>>
      %dma_start3A_46 = tpu.memref_slice %arg2[%mul3A_19] : memref<320000xi32, #tpu.memory_space<hbm>> -> memref<20000xi32, #tpu.memory_space<hbm>>
      tpu.enqueue_dma source(%dma_start3A_46 : memref<20000xi32, #tpu.memory_space<hbm>>) target(%arg7 : memref<20000xi32, #tpu.memory_space<vmem>>) target_semaphore(%run_scoped3A : memref<!tpu.dma_semaphore, #tpu.memory_space<semaphore_mem>>)
      %dma_wait3A = tpu.memref_slice %arg2[%mul3A_19] : memref<320000xi32, #tpu.memory_space<hbm>> -> memref<20000xi32, #tpu.memory_space<hbm>>
      %dma_wait3A_47 = tpu.memref_slice %arg2[%mul3A_19] : memref<320000xi32, #tpu.memory_space<hbm>> -> memref<20000xi32, #tpu.memory_space<hbm>>
      tpu.wait_dma2 semaphore(%run_scoped3A : memref<!tpu.dma_semaphore, #tpu.memory_space<semaphore_mem>>) src(%dma_wait3A_47 : memref<20000xi32, #tpu.memory_space<hbm>>) dst(%arg7 : memref<20000xi32, #tpu.memory_space<vmem>>)
      tpu.yield
    }) : () -> ()
    "tpu.region"() ({
      %run_scoped3A = tpu.sem_alloc : memref<!tpu.dma_semaphore, #tpu.memory_space<semaphore_mem>>
      %dma_start3A = arith.constant 0 : i32
      %dma_start3A_46 = arith.constant 0 : i32
      %dma_start3A_47 = tpu.memref_slice %arg3[%arg1, %dma_start3A, %dma_start3A_46] : memref<16x250x80xi32, #tpu.memory_space<hbm>> -> memref<1x250x80xi32, #tpu.memory_space<hbm>>
      %dma_start3A_48 = tpu.memref_squeeze %dma_start3A_47 : memref<1x250x80xi32, #tpu.memory_space<hbm>> -> memref<250x80xi32, #tpu.memory_space<hbm>>
      %dma_start3A_49 = arith.constant 0 : i32
      %dma_start3A_50 = arith.constant 0 : i32
      %dma_start3A_51 = tpu.memref_slice %arg3[%arg1, %dma_start3A_49, %dma_start3A_50] : memref<16x250x80xi32, #tpu.memory_space<hbm>> -> memref<1x250x80xi32, #tpu.memory_space<hbm>>
      %dma_start3A_52 = tpu.memref_squeeze %dma_start3A_51 : memref<1x250x80xi32, #tpu.memory_space<hbm>> -> memref<250x80xi32, #tpu.memory_space<hbm>>
      tpu.enqueue_dma source(%dma_start3A_52 : memref<250x80xi32, #tpu.memory_space<hbm>>) target(%arg8 : memref<250x80xi32, #tpu.memory_space<vmem>>) target_semaphore(%run_scoped3A : memref<!tpu.dma_semaphore, #tpu.memory_space<semaphore_mem>>)
      %dma_wait3A = arith.constant 0 : i32
      %dma_wait3A_53 = arith.constant 0 : i32
      %dma_wait3A_54 = tpu.memref_slice %arg3[%arg1, %dma_wait3A, %dma_wait3A_53] : memref<16x250x80xi32, #tpu.memory_space<hbm>> -> memref<1x250x80xi32, #tpu.memory_space<hbm>>
      %dma_wait3A_55 = tpu.memref_squeeze %dma_wait3A_54 : memref<1x250x80xi32, #tpu.memory_space<hbm>> -> memref<250x80xi32, #tpu.memory_space<hbm>>
      %dma_wait3A_56 = arith.constant 0 : i32
      %dma_wait3A_57 = arith.constant 0 : i32
      %dma_wait3A_58 = tpu.memref_slice %arg3[%arg1, %dma_wait3A_56, %dma_wait3A_57] : memref<16x250x80xi32, #tpu.memory_space<hbm>> -> memref<1x250x80xi32, #tpu.memory_space<hbm>>
      %dma_wait3A_59 = tpu.memref_squeeze %dma_wait3A_58 : memref<1x250x80xi32, #tpu.memory_space<hbm>> -> memref<250x80xi32, #tpu.memory_space<hbm>>
      tpu.wait_dma2 semaphore(%run_scoped3A : memref<!tpu.dma_semaphore, #tpu.memory_space<semaphore_mem>>) src(%dma_wait3A_59 : memref<250x80xi32, #tpu.memory_space<hbm>>) dst(%arg8 : memref<250x80xi32, #tpu.memory_space<vmem>>)
      tpu.yield
    }) : () -> ()
    %mul3A_20 = arith.constant 20000 : i32
    %mul3A_21 = arith.muli %arg1, %mul3A_20 : i32
    "tpu.region"() ({
      %run_scoped3A = tpu.sem_alloc : memref<!tpu.dma_semaphore, #tpu.memory_space<semaphore_mem>>
      %dma_start3A = tpu.memref_slice %arg4[%mul3A_21] : memref<320000xf32, #tpu.memory_space<hbm>> -> memref<20000xf32, #tpu.memory_space<hbm>>
      %dma_start3A_46 = tpu.memref_slice %arg4[%mul3A_21] : memref<320000xf32, #tpu.memory_space<hbm>> -> memref<20000xf32, #tpu.memory_space<hbm>>
      tpu.enqueue_dma source(%dma_start3A_46 : memref<20000xf32, #tpu.memory_space<hbm>>) target(%arg9 : memref<20000xf32, #tpu.memory_space<vmem>>) target_semaphore(%run_scoped3A : memref<!tpu.dma_semaphore, #tpu.memory_space<semaphore_mem>>)
      %dma_wait3A = tpu.memref_slice %arg4[%mul3A_21] : memref<320000xf32, #tpu.memory_space<hbm>> -> memref<20000xf32, #tpu.memory_space<hbm>>
      %dma_wait3A_47 = tpu.memref_slice %arg4[%mul3A_21] : memref<320000xf32, #tpu.memory_space<hbm>> -> memref<20000xf32, #tpu.memory_space<hbm>>
      tpu.wait_dma2 semaphore(%run_scoped3A : memref<!tpu.dma_semaphore, #tpu.memory_space<semaphore_mem>>) src(%dma_wait3A_47 : memref<20000xf32, #tpu.memory_space<hbm>>) dst(%arg9 : memref<20000xf32, #tpu.memory_space<vmem>>)
      tpu.yield
    }) : () -> ()
    %scan3A_22 = arith.constant 0 : i32
    %scan3A_23 = arith.constant 0 : i32
    %scan3A_24 = arith.constant 1250 : i32
    %scan3A_25 = arith.addi %scan3A_23, %scan3A_24 : i32
    %scan3A_26 = arith.constant 1 : i32
    %scan3A_27 = scf.for %scan3A_46 = %scan3A_23 to %scan3A_25 step %scan3A_26 iter_args(%scan3A_47 = %scan3A_22) -> (i32)  : i32 {
      %mul3A_48 = arith.constant 16 : i32
      %mul3A_49 = arith.muli %scan3A_46, %mul3A_48 : i32
      %get3A = arith.index_cast %mul3A_49 : i32 to index
      %get3A_50 = tpu.vector_load %arg7[%get3A] {strides = array<i32>} : memref<20000xi32, #tpu.memory_space<vmem>>, vector<16xi32>,
      %mul3A_51 = arith.constant 4 : i32
      %mul3A_52 = vector.broadcast %mul3A_51 : i32 to vector<16xi32>
      %mul3A_53 = arith.muli %get3A_50, %mul3A_52 : vector<16xi32>
      %mul3A_54 = arith.constant 2 : i32
      %mul3A_55 = arith.muli %arg0, %mul3A_54 : i32
      %add3A_56 = vector.broadcast %mul3A_55 : i32 to vector<16xi32>
      %add3A_57 = arith.addi %mul3A_53, %add3A_56 : vector<16xi32>
      %mul3A_58 = arith.constant 16 : i32
      %mul3A_59 = arith.muli %scan3A_46, %mul3A_58 : i32
      %swap3A = arith.index_cast %mul3A_59 : i32 to index
      %swap3A_60 = tpu.vector_load %arg7[%swap3A] {strides = array<i32>} : memref<20000xi32, #tpu.memory_space<vmem>>, vector<16xi32>,
      tpu.vector_store %arg7[%swap3A], %add3A_57 {strides = array<i32>} : memref<20000xi32, #tpu.memory_space<vmem>>, vector<16xi32>,
      %scan3A_61 = arith.constant 0 : i32
      scf.yield %scan3A_61 : i32
    }
    %scan3A_28 = arith.constant 1250 : i32
    %barrier3A = arith.constant 0 : index
    tpu.barrier barrier_id(%barrier3A)
    %scan3A_29 = arith.constant 0 : i32
    %scan3A_30 = arith.constant -2 : i32
    %scan3A_31 = arith.constant 253 : i32
    %scan3A_32 = arith.addi %scan3A_30, %scan3A_31 : i32
    %scan3A_33 = arith.constant 1 : i32
    %scan3A_34 = scf.for %scan3A_46 = %scan3A_30 to %scan3A_32 step %scan3A_33 iter_args(%scan3A_47 = %scan3A_29) -> (i32)  : i32 {
      %add3A_48 = arith.constant 6 : i32
      %add3A_49 = arith.addi %scan3A_46, %add3A_48 : i32
      %rem3A = arith.constant 3 : i32
      %rem3A_50 = arith.remsi %add3A_49, %rem3A : i32
      %eq3A_51 = arith.constant 0 : i32
      %eq3A_52 = arith.cmpi eq, %rem3A_50, %eq3A_51 : i32
      %convert_element_type3A_53 = arith.extui %eq3A_52 : i1 to i32
      %cond3A_54 = arith.constant 0 : i32
      %cond3A_55 = arith.cmpi ne, %convert_element_type3A_53, %cond3A_54 : i32
      scf.if %cond3A_55 {
        %ge3A = arith.constant 0 : i32
        %ge3A_67 = arith.cmpi sge, %scan3A_46, %ge3A : i32
        %lt3A = arith.constant 250 : i32
        %lt3A_68 = arith.cmpi slt, %scan3A_46, %lt3A : i32
        %and3A = arith.andi %ge3A_67, %lt3A_68 : i1
        %convert_element_type3A_69 = arith.extui %and3A : i1 to i32
        %cond3A_70 = arith.constant 0 : i32
        %cond3A_71 = arith.cmpi ne, %convert_element_type3A_69, %cond3A_70 : i32
        scf.if %cond3A_71 {
          %mul3A_84 = arith.constant 80 : i32
          %mul3A_85 = arith.muli %scan3A_46, %mul3A_84 : i32
          %dma_wait3A = tpu.memref_slice %arg7[%mul3A_85] : memref<20000xi32, #tpu.memory_space<vmem>> -> memref<80xi32, #tpu.memory_space<vmem>>
          %dma_wait3A_86 = arith.constant 0 : i32
          %dma_wait3A_87 = arith.constant 0 : i32
          %dma_wait3A_88 = tpu.memref_slice %arg5[%dma_wait3A_86, %dma_wait3A_87] : memref<40000x32xf32, #tpu.memory_space<hbm>> -> memref<40000x32xf32, #tpu.memory_space<hbm>>
          tpu.wait_indirect_dma semaphore(%arg15 : memref<!tpu.dma_semaphore, #tpu.memory_space<semaphore_mem>>) src(%dma_wait3A_88 : memref<40000x32xf32, #tpu.memory_space<hbm>>) dst(%arg10 : memref<80x32xf32, #tpu.memory_space<vmem>>)
        } else {
        }
        %ge3A_72 = arith.constant 1 : i32
        %ge3A_73 = arith.cmpi sge, %scan3A_46, %ge3A_72 : i32
        %convert_element_type3A_74 = arith.extui %ge3A_73 : i1 to i32
        %cond3A_75 = arith.constant 0 : i32
        %cond3A_76 = arith.cmpi ne, %convert_element_type3A_74, %cond3A_75 : i32
        scf.if %cond3A_76 {
          %sub3A = arith.constant 1 : i32
          %sub3A_84 = arith.subi %scan3A_46, %sub3A : i32
        } else {
        }
        %add3A_77 = arith.constant 2 : i32
        %add3A_78 = arith.addi %scan3A_46, %add3A_77 : i32
        %lt3A_79 = arith.constant 250 : i32
        %lt3A_80 = arith.cmpi slt, %add3A_78, %lt3A_79 : i32
        %convert_element_type3A_81 = arith.extui %lt3A_80 : i1 to i32
        %cond3A_82 = arith.constant 0 : i32
        %cond3A_83 = arith.cmpi ne, %convert_element_type3A_81, %cond3A_82 : i32
        scf.if %cond3A_83 {
          %add3A_84 = arith.constant 2 : i32
          %add3A_85 = arith.addi %scan3A_46, %add3A_84 : i32
          %mul3A_86 = arith.constant 80 : i32
          %mul3A_87 = arith.muli %add3A_85, %mul3A_86 : i32
          %dma_start3A = tpu.memref_slice %arg7[%mul3A_87] : memref<20000xi32, #tpu.memory_space<vmem>> -> memref<80xi32, #tpu.memory_space<vmem>>
          %dma_start3A_88 = arith.constant 0 : i32
          %dma_start3A_89 = arith.constant 0 : i32
          %dma_start3A_90 = tpu.memref_slice %arg5[%dma_start3A_88, %dma_start3A_89] : memref<40000x32xf32, #tpu.memory_space<hbm>> -> memref<40000x32xf32, #tpu.memory_space<hbm>>
          tpu.enqueue_indirect_dma source(%dma_start3A_90 : memref<40000x32xf32, #tpu.memory_space<hbm>>) target(%arg12 : memref<80x32xf32, #tpu.memory_space<vmem>>) offsets(%dma_start3A : memref<80xi32, #tpu.memory_space<vmem>>) semaphore(%arg17 : memref<!tpu.dma_semaphore, #tpu.memory_space<semaphore_mem>>)
        } else {
        }
      } else {
      }
      %eq3A_56 = arith.constant 1 : i32
      %eq3A_57 = arith.cmpi eq, %rem3A_50, %eq3A_56 : i32
      %convert_element_type3A_58 = arith.extui %eq3A_57 : i1 to i32
      %cond3A_59 = arith.constant 0 : i32
      %cond3A_60 = arith.cmpi ne, %convert_element_type3A_58, %cond3A_59 : i32
      scf.if %cond3A_60 {
        %ge3A = arith.constant 0 : i32
        %ge3A_67 = arith.cmpi sge, %scan3A_46, %ge3A : i32
        %lt3A = arith.constant 250 : i32
        %lt3A_68 = arith.cmpi slt, %scan3A_46, %lt3A : i32
        %and3A = arith.andi %ge3A_67, %lt3A_68 : i1
        %convert_element_type3A_69 = arith.extui %and3A : i1 to i32
        %cond3A_70 = arith.constant 0 : i32
        %cond3A_71 = arith.cmpi ne, %convert_element_type3A_69, %cond3A_70 : i32
        scf.if %cond3A_71 {
          %mul3A_84 = arith.constant 80 : i32
          %mul3A_85 = arith.muli %scan3A_46, %mul3A_84 : i32
          %dma_wait3A = tpu.memref_slice %arg7[%mul3A_85] : memref<20000xi32, #tpu.memory_space<vmem>> -> memref<80xi32, #tpu.memory_space<vmem>>
          %dma_wait3A_86 = arith.constant 0 : i32
          %dma_wait3A_87 = arith.constant 0 : i32
          %dma_wait3A_88 = tpu.memref_slice %arg5[%dma_wait3A_86, %dma_wait3A_87] : memref<40000x32xf32, #tpu.memory_space<hbm>> -> memref<40000x32xf32, #tpu.memory_space<hbm>>
          tpu.wait_indirect_dma semaphore(%arg16 : memref<!tpu.dma_semaphore, #tpu.memory_space<semaphore_mem>>) src(%dma_wait3A_88 : memref<40000x32xf32, #tpu.memory_space<hbm>>) dst(%arg11 : memref<80x32xf32, #tpu.memory_space<vmem>>)
        } else {
        }
        %ge3A_72 = arith.constant 1 : i32
        %ge3A_73 = arith.cmpi sge, %scan3A_46, %ge3A_72 : i32
        %convert_element_type3A_74 = arith.extui %ge3A_73 : i1 to i32
        %cond3A_75 = arith.constant 0 : i32
        %cond3A_76 = arith.cmpi ne, %convert_element_type3A_74, %cond3A_75 : i32
        scf.if %cond3A_76 {
          %sub3A = arith.constant 1 : i32
          %sub3A_84 = arith.subi %scan3A_46, %sub3A : i32
        } else {
        }
        %add3A_77 = arith.constant 2 : i32
        %add3A_78 = arith.addi %scan3A_46, %add3A_77 : i32
        %lt3A_79 = arith.constant 250 : i32
        %lt3A_80 = arith.cmpi slt, %add3A_78, %lt3A_79 : i32
        %convert_element_type3A_81 = arith.extui %lt3A_80 : i1 to i32
        %cond3A_82 = arith.constant 0 : i32
        %cond3A_83 = arith.cmpi ne, %convert_element_type3A_81, %cond3A_82 : i32
        scf.if %cond3A_83 {
          %add3A_84 = arith.constant 2 : i32
          %add3A_85 = arith.addi %scan3A_46, %add3A_84 : i32
          %mul3A_86 = arith.constant 80 : i32
          %mul3A_87 = arith.muli %add3A_85, %mul3A_86 : i32
          %dma_start3A = tpu.memref_slice %arg7[%mul3A_87] : memref<20000xi32, #tpu.memory_space<vmem>> -> memref<80xi32, #tpu.memory_space<vmem>>
          %dma_start3A_88 = arith.constant 0 : i32
          %dma_start3A_89 = arith.constant 0 : i32
          %dma_start3A_90 = tpu.memref_slice %arg5[%dma_start3A_88, %dma_start3A_89] : memref<40000x32xf32, #tpu.memory_space<hbm>> -> memref<40000x32xf32, #tpu.memory_space<hbm>>
          tpu.enqueue_indirect_dma source(%dma_start3A_90 : memref<40000x32xf32, #tpu.memory_space<hbm>>) target(%arg10 : memref<80x32xf32, #tpu.memory_space<vmem>>) offsets(%dma_start3A : memref<80xi32, #tpu.memory_space<vmem>>) semaphore(%arg15 : memref<!tpu.dma_semaphore, #tpu.memory_space<semaphore_mem>>)
        } else {
        }
      } else {
      }
      %eq3A_61 = arith.constant 2 : i32
      %eq3A_62 = arith.cmpi eq, %rem3A_50, %eq3A_61 : i32
      %convert_element_type3A_63 = arith.extui %eq3A_62 : i1 to i32
      %cond3A_64 = arith.constant 0 : i32
      %cond3A_65 = arith.cmpi ne, %convert_element_type3A_63, %cond3A_64 : i32
      scf.if %cond3A_65 {
        %ge3A = arith.constant 0 : i32
        %ge3A_67 = arith.cmpi sge, %scan3A_46, %ge3A : i32
        %lt3A = arith.constant 250 : i32
        %lt3A_68 = arith.cmpi slt, %scan3A_46, %lt3A : i32
        %and3A = arith.andi %ge3A_67, %lt3A_68 : i1
        %convert_element_type3A_69 = arith.extui %and3A : i1 to i32
        %cond3A_70 = arith.constant 0 : i32
        %cond3A_71 = arith.cmpi ne, %convert_element_type3A_69, %cond3A_70 : i32
        scf.if %cond3A_71 {
          %mul3A_84 = arith.constant 80 : i32
          %mul3A_85 = arith.muli %scan3A_46, %mul3A_84 : i32
          %dma_wait3A = tpu.memref_slice %arg7[%mul3A_85] : memref<20000xi32, #tpu.memory_space<vmem>> -> memref<80xi32, #tpu.memory_space<vmem>>
          %dma_wait3A_86 = arith.constant 0 : i32
          %dma_wait3A_87 = arith.constant 0 : i32
          %dma_wait3A_88 = tpu.memref_slice %arg5[%dma_wait3A_86, %dma_wait3A_87] : memref<40000x32xf32, #tpu.memory_space<hbm>> -> memref<40000x32xf32, #tpu.memory_space<hbm>>
          tpu.wait_indirect_dma semaphore(%arg17 : memref<!tpu.dma_semaphore, #tpu.memory_space<semaphore_mem>>) src(%dma_wait3A_88 : memref<40000x32xf32, #tpu.memory_space<hbm>>) dst(%arg12 : memref<80x32xf32, #tpu.memory_space<vmem>>)
        } else {
        }
        %ge3A_72 = arith.constant 1 : i32
        %ge3A_73 = arith.cmpi sge, %scan3A_46, %ge3A_72 : i32
        %convert_element_type3A_74 = arith.extui %ge3A_73 : i1 to i32
        %cond3A_75 = arith.constant 0 : i32
        %cond3A_76 = arith.cmpi ne, %convert_element_type3A_74, %cond3A_75 : i32
        scf.if %cond3A_76 {
          %sub3A = arith.constant 1 : i32
          %sub3A_84 = arith.subi %scan3A_46, %sub3A : i32
        } else {
        }
        %add3A_77 = arith.constant 2 : i32
        %add3A_78 = arith.addi %scan3A_46, %add3A_77 : i32
        %lt3A_79 = arith.constant 250 : i32
        %lt3A_80 = arith.cmpi slt, %add3A_78, %lt3A_79 : i32
        %convert_element_type3A_81 = arith.extui %lt3A_80 : i1 to i32
        %cond3A_82 = arith.constant 0 : i32
        %cond3A_83 = arith.cmpi ne, %convert_element_type3A_81, %cond3A_82 : i32
        scf.if %cond3A_83 {
          %add3A_84 = arith.constant 2 : i32
          %add3A_85 = arith.addi %scan3A_46, %add3A_84 : i32
          %mul3A_86 = arith.constant 80 : i32
          %mul3A_87 = arith.muli %add3A_85, %mul3A_86 : i32
          %dma_start3A = tpu.memref_slice %arg7[%mul3A_87] : memref<20000xi32, #tpu.memory_space<vmem>> -> memref<80xi32, #tpu.memory_space<vmem>>
          %dma_start3A_88 = arith.constant 0 : i32
          %dma_start3A_89 = arith.constant 0 : i32
          %dma_start3A_90 = tpu.memref_slice %arg5[%dma_start3A_88, %dma_start3A_89] : memref<40000x32xf32, #tpu.memory_space<hbm>> -> memref<40000x32xf32, #tpu.memory_space<hbm>>
          tpu.enqueue_indirect_dma source(%dma_start3A_90 : memref<40000x32xf32, #tpu.memory_space<hbm>>) target(%arg11 : memref<80x32xf32, #tpu.memory_space<vmem>>) offsets(%dma_start3A : memref<80xi32, #tpu.memory_space<vmem>>) semaphore(%arg16 : memref<!tpu.dma_semaphore, #tpu.memory_space<semaphore_mem>>)
        } else {
        }
      } else {
      }
      %scan3A_66 = arith.constant 0 : i32
      scf.yield %scan3A_66 : i32
    }
    %scan3A_35 = arith.constant 253 : i32
    %barrier3A_36 = arith.constant 0 : index
    tpu.barrier barrier_id(%barrier3A_36)
    %mul3A_37 = arith.constant 624 : i32
    %mul3A_38 = arith.muli %arg1, %mul3A_37 : i32
    %mul3A_39 = arith.constant 624 : i32
    %mul3A_40 = arith.muli %arg1, %mul3A_39 : i32
    "tpu.region"() ({
      %run_scoped3A = tpu.sem_alloc : memref<!tpu.dma_semaphore, #tpu.memory_space<semaphore_mem>>
      %dma_start3A = arith.constant 0 : i32
      %dma_start3A_46 = tpu.memref_slice %arg6[%arg0, %mul3A_40, %dma_start3A] : memref<2x10000x64xf32, #tpu.memory_space<hbm>> -> memref<1x624x64xf32, #tpu.memory_space<hbm>>
      %dma_start3A_47 = tpu.memref_squeeze %dma_start3A_46 : memref<1x624x64xf32, #tpu.memory_space<hbm>> -> memref<624x64xf32, #tpu.memory_space<hbm>>
      %dma_start3A_48 = arith.constant 0 : i32
      %dma_start3A_49 = tpu.memref_slice %arg14[%mul3A_38, %dma_start3A_48] : memref<10000x64xf32, #tpu.memory_space<vmem_shared>> -> memref<624x64xf32, #tpu.memory_space<vmem_shared>>
      tpu.enqueue_dma source(%dma_start3A_49 : memref<624x64xf32, #tpu.memory_space<vmem_shared>>) target(%dma_start3A_47 : memref<624x64xf32, #tpu.memory_space<hbm>>) target_semaphore(%run_scoped3A : memref<!tpu.dma_semaphore, #tpu.memory_space<semaphore_mem>>)
      %dma_wait3A = arith.constant 0 : i32
      %dma_wait3A_50 = tpu.memref_slice %arg6[%arg0, %mul3A_40, %dma_wait3A] : memref<2x10000x64xf32, #tpu.memory_space<hbm>> -> memref<1x624x64xf32, #tpu.memory_space<hbm>>
      %dma_wait3A_51 = tpu.memref_squeeze %dma_wait3A_50 : memref<1x624x64xf32, #tpu.memory_space<hbm>> -> memref<624x64xf32, #tpu.memory_space<hbm>>
      %dma_wait3A_52 = arith.constant 0 : i32
      %dma_wait3A_53 = tpu.memref_slice %arg14[%mul3A_38, %dma_wait3A_52] : memref<10000x64xf32, #tpu.memory_space<vmem_shared>> -> memref<624x64xf32, #tpu.memory_space<vmem_shared>>
      tpu.wait_dma2 semaphore(%run_scoped3A : memref<!tpu.dma_semaphore, #tpu.memory_space<semaphore_mem>>) src(%dma_wait3A_53 : memref<624x64xf32, #tpu.memory_space<vmem_shared>>) dst(%dma_wait3A_51 : memref<624x64xf32, #tpu.memory_space<hbm>>)
      tpu.yield
    }) : () -> ()
    %eq3A_41 = arith.constant 0 : i32
    %eq3A_42 = arith.cmpi eq, %arg1, %eq3A_41 : i32
    %convert_element_type3A_43 = arith.extui %eq3A_42 : i1 to i32
    %cond3A_44 = arith.constant 0 : i32
    %cond3A_45 = arith.cmpi ne, %convert_element_type3A_43, %cond3A_44 : i32
    scf.if %cond3A_45 {
      "tpu.region"() ({
        %run_scoped3A = tpu.sem_alloc : memref<!tpu.dma_semaphore, #tpu.memory_space<semaphore_mem>>
        %dma_start3A = arith.constant 9984 : i32
        %dma_start3A_46 = arith.constant 0 : i32
        %dma_start3A_47 = tpu.memref_slice %arg6[%arg0, %dma_start3A, %dma_start3A_46] : memref<2x10000x64xf32, #tpu.memory_space<hbm>> -> memref<1x16x64xf32, #tpu.memory_space<hbm>>
        %dma_start3A_48 = tpu.memref_squeeze %dma_start3A_47 : memref<1x16x64xf32, #tpu.memory_space<hbm>> -> memref<16x64xf32, #tpu.memory_space<hbm>>
        %dma_start3A_49 = arith.constant 9984 : i32
        %dma_start3A_50 = arith.constant 0 : i32
        %dma_start3A_51 = tpu.memref_slice %arg14[%dma_start3A_49, %dma_start3A_50] : memref<10000x64xf32, #tpu.memory_space<vmem_shared>> -> memref<16x64xf32, #tpu.memory_space<vmem_shared>>
        tpu.enqueue_dma source(%dma_start3A_51 : memref<16x64xf32, #tpu.memory_space<vmem_shared>>) target(%dma_start3A_48 : memref<16x64xf32, #tpu.memory_space<hbm>>) target_semaphore(%run_scoped3A : memref<!tpu.dma_semaphore, #tpu.memory_space<semaphore_mem>>)
        %dma_wait3A = arith.constant 9984 : i32
        %dma_wait3A_52 = arith.constant 0 : i32
        %dma_wait3A_53 = tpu.memref_slice %arg6[%arg0, %dma_wait3A, %dma_wait3A_52] : memref<2x10000x64xf32, #tpu.memory_space<hbm>> -> memref<1x16x64xf32, #tpu.memory_space<hbm>>
        %dma_wait3A_54 = tpu.memref_squeeze %dma_wait3A_53 : memref<1x16x64xf32, #tpu.memory_space<hbm>> -> memref<16x64xf32, #tpu.memory_space<hbm>>
        %dma_wait3A_55 = arith.constant 9984 : i32
        %dma_wait3A_56 = arith.constant 0 : i32
        %dma_wait3A_57 = tpu.memref_slice %arg14[%dma_wait3A_55, %dma_wait3A_56] : memref<10000x64xf32, #tpu.memory_space<vmem_shared>> -> memref<16x64xf32, #tpu.memory_space<vmem_shared>>
        tpu.wait_dma2 semaphore(%run_scoped3A : memref<!tpu.dma_semaphore, #tpu.memory_space<semaphore_mem>>) src(%dma_wait3A_57 : memref<16x64xf32, #tpu.memory_space<vmem_shared>>) dst(%dma_wait3A_54 : memref<16x64xf32, #tpu.memory_space<hbm>>)
        tpu.yield
      }) : () -> ()
    } else {
    }
    return
  }
}

#map = affine_map<(d0, d1) -> (0)>
#map1 = affine_map<(d0, d1) -> (0, 0, 0)>
#map2 = affine_map<(d0, d1) -> (0, 0)>
module attributes {stable_mosaic.version = 14 : i64} {
  func.func @_agg_kernel(%arg0: i32, %arg1: i32, %arg2: memref<320000xi32, #tpu.memory_space<hbm>>, %arg3: memref<16x250x80xi32, #tpu.memory_space<hbm>>, %arg4: memref<320000xf32, #tpu.memory_space<hbm>>, %arg5: memref<40000x32xf32, #tpu.memory_space<hbm>>, %arg6: memref<2x10000x64xf32, #tpu.memory_space<hbm>>, %arg7: memref<20000xi32, #tpu.memory_space<vmem>>, %arg8: memref<250x80xi32, #tpu.memory_space<vmem>>, %arg9: memref<20000xf32, #tpu.memory_space<vmem>>, %arg10: memref<80x32xf32, #tpu.memory_space<vmem>>, %arg11: memref<80x32xf32, #tpu.memory_space<vmem>>, %arg12: memref<80x32xf32, #tpu.memory_space<vmem>>, %arg13: memref<208x64xf32, #tpu.memory_space<vmem>>, %arg14: memref<10000x64xf32, #tpu.memory_space<vmem_shared>>, %arg15: memref<!tpu.dma_semaphore, #tpu.memory_space<semaphore_mem>>, %arg16: memref<!tpu.dma_semaphore, #tpu.memory_space<semaphore_mem>>, %arg17: memref<!tpu.dma_semaphore, #tpu.memory_space<semaphore_mem>>, %arg18: memref<!tpu.dma_semaphore, #tpu.memory_space<semaphore_mem>>, %arg19: memref<!tpu.dma_semaphore, #tpu.memory_space<semaphore_mem>>, %arg20: memref<!tpu.dma_semaphore, #tpu.memory_space<semaphore_mem>>) attributes {dimension_semantics = [#tpu.dimension_semantics<core_parallel>, #tpu.dimension_semantics<subcore_parallel>], iteration_bounds = array<i64: 2, 16>, scalar_prefetch = 0 : i64, scratch_operands = 14 : i64, tpu.core_type = #tpu.core_type<sc_vector_subcore>, window_params = [{transform_indices = #map}, {transform_indices = #map1}, {transform_indices = #map}, {transform_indices = #map2}, {transform_indices = #map1}]} {
    %scan3A = arith.constant 0 : i32
    %scan3A_0 = arith.constant 0 : i32
    %scan3A_1 = arith.constant 832 : i32
    %scan3A_2 = arith.addi %scan3A_0, %scan3A_1 : i32
    %scan3A_3 = arith.constant 1 : i32
    %scan3A_4 = scf.for %scan3A_46 = %scan3A_0 to %scan3A_2 step %scan3A_3 iter_args(%scan3A_47 = %scan3A) -> (i32)  : i32 {
      %jit3A = arith.constant 4 : i32
      %div3A = arith.divsi %scan3A_46, %jit3A : i32
      %sign3A = arith.constant 0 : i32
      %sign3A_48 = arith.cmpi sgt, %scan3A_46, %sign3A : i32
      %sign3A_49 = arith.extui %sign3A_48 : i1 to i32
      %sign3A_50 = arith.constant 0 : i32
      %sign3A_51 = arith.cmpi slt, %scan3A_46, %sign3A_50 : i32
      %sign3A_52 = arith.extui %sign3A_51 : i1 to i32
      %sign3A_53 = arith.subi %sign3A_49, %sign3A_52 : i32
      %sign3A_54 = arith.constant 0 : i32
      %sign3A_55 = arith.cmpi sgt, %jit3A, %sign3A_54 : i32
      %sign3A_56 = arith.extui %sign3A_55 : i1 to i32
      %sign3A_57 = arith.constant 0 : i32
      %sign3A_58 = arith.cmpi slt, %jit3A, %sign3A_57 : i32
      %sign3A_59 = arith.extui %sign3A_58 : i1 to i32
      %sign3A_60 = arith.subi %sign3A_56, %sign3A_59 : i32
      %ne3A = arith.cmpi ne, %sign3A_53, %sign3A_60 : i32
      %rem3A = arith.remsi %scan3A_46, %jit3A : i32
      %ne3A_61 = arith.constant 0 : i32
      %ne3A_62 = arith.cmpi ne, %rem3A, %ne3A_61 : i32
      %and3A = arith.andi %ne3A, %ne3A_62 : i1
      %sub3A = arith.constant 1 : i32
      %sub3A_63 = arith.subi %div3A, %sub3A : i32
      %select_n3A = arith.select %and3A, %sub3A_63, %div3A : i32
      %jit3A_64 = arith.constant 4 : i32
      %eq3A_65 = arith.constant 0 : i32
      %eq3A_66 = arith.cmpi eq, %jit3A_64, %eq3A_65 : i32
      %jit3A_67 = arith.constant 1 : i32
      %select_n3A_68 = arith.select %eq3A_66, %jit3A_67, %jit3A_64 : i32
      %rem3A_69 = arith.remsi %scan3A_46, %select_n3A_68 : i32
      %ne3A_70 = arith.constant 0 : i32
      %ne3A_71 = arith.cmpi ne, %rem3A_69, %ne3A_70 : i32
      %lt3A = arith.constant 0 : i32
      %lt3A_72 = arith.cmpi slt, %rem3A_69, %lt3A : i32
      %lt3A_73 = arith.constant 0 : i32
      %lt3A_74 = arith.cmpi slt, %select_n3A_68, %lt3A_73 : i32
      %ne3A_75 = arith.xori %lt3A_72, %lt3A_74 : i1
      %and3A_76 = arith.andi %ne3A_75, %ne3A_71 : i1
      %add3A_77 = arith.addi %rem3A_69, %select_n3A_68 : i32
      %select_n3A_78 = arith.select %and3A_76, %add3A_77, %rem3A_69 : i32
      %broadcast_in_dim3A = arith.constant 0.000000e+00 : f32
      %broadcast_in_dim3A_79 = vector.broadcast %broadcast_in_dim3A : f32 to vector<16xf32>
      %mul3A_80 = arith.constant 16 : i32
      %mul3A_81 = arith.muli %select_n3A_78, %mul3A_80 : i32
      %swap3A = arith.index_cast %select_n3A : i32 to index
      %swap3A_82 = arith.index_cast %mul3A_81 : i32 to index
      %swap3A_83 = tpu.vector_load %arg13[%swap3A, %swap3A_82] {strides = array<i32>} : memref<208x64xf32, #tpu.memory_space<vmem>>, vector<16xf32>,
      tpu.vector_store %arg13[%swap3A, %swap3A_82], %broadcast_in_dim3A_79 {strides = array<i32>} : memref<208x64xf32, #tpu.memory_space<vmem>>, vector<16xf32>,
      %scan3A_84 = arith.constant 0 : i32
      scf.yield %scan3A_84 : i32
    }
    %scan3A_5 = arith.constant 832 : i32
    %mul3A = arith.constant 624 : i32
    %mul3A_6 = arith.muli %arg1, %mul3A : i32
    %add3A = arith.constant 0 : i32
    %add3A_7 = arith.addi %mul3A_6, %add3A : i32
    "tpu.region"() ({
      %run_scoped3A = tpu.sem_alloc : memref<!tpu.dma_semaphore, #tpu.memory_space<semaphore_mem>>
      %dma_start3A = arith.constant 0 : i32
      %dma_start3A_46 = tpu.memref_slice %arg14[%add3A_7, %dma_start3A] : memref<10000x64xf32, #tpu.memory_space<vmem_shared>> -> memref<208x64xf32, #tpu.memory_space<vmem_shared>>
      %dma_start3A_47 = arith.constant 0 : i32
      %dma_start3A_48 = tpu.memref_slice %arg14[%add3A_7, %dma_start3A_47] : memref<10000x64xf32, #tpu.memory_space<vmem_shared>> -> memref<208x64xf32, #tpu.memory_space<vmem_shared>>
      tpu.enqueue_dma source(%arg13 : memref<208x64xf32, #tpu.memory_space<vmem>>) target(%dma_start3A_48 : memref<208x64xf32, #tpu.memory_space<vmem_shared>>) target_semaphore(%run_scoped3A : memref<!tpu.dma_semaphore, #tpu.memory_space<semaphore_mem>>)
      %dma_wait3A = arith.constant 0 : i32
      %dma_wait3A_49 = tpu.memref_slice %arg14[%add3A_7, %dma_wait3A] : memref<10000x64xf32, #tpu.memory_space<vmem_shared>> -> memref<208x64xf32, #tpu.memory_space<vmem_shared>>
      %dma_wait3A_50 = arith.constant 0 : i32
      %dma_wait3A_51 = tpu.memref_slice %arg14[%add3A_7, %dma_wait3A_50] : memref<10000x64xf32, #tpu.memory_space<vmem_shared>> -> memref<208x64xf32, #tpu.memory_space<vmem_shared>>
      tpu.wait_dma2 semaphore(%run_scoped3A : memref<!tpu.dma_semaphore, #tpu.memory_space<semaphore_mem>>) src(%arg13 : memref<208x64xf32, #tpu.memory_space<vmem>>) dst(%dma_wait3A_51 : memref<208x64xf32, #tpu.memory_space<vmem_shared>>)
      tpu.yield
    }) : () -> ()
    %mul3A_8 = arith.constant 624 : i32
    %mul3A_9 = arith.muli %arg1, %mul3A_8 : i32
    %add3A_10 = arith.constant 208 : i32
    %add3A_11 = arith.addi %mul3A_9, %add3A_10 : i32
    "tpu.region"() ({
      %run_scoped3A = tpu.sem_alloc : memref<!tpu.dma_semaphore, #tpu.memory_space<semaphore_mem>>
      %dma_start3A = arith.constant 0 : i32
      %dma_start3A_46 = tpu.memref_slice %arg14[%add3A_11, %dma_start3A] : memref<10000x64xf32, #tpu.memory_space<vmem_shared>> -> memref<208x64xf32, #tpu.memory_space<vmem_shared>>
      %dma_start3A_47 = arith.constant 0 : i32
      %dma_start3A_48 = tpu.memref_slice %arg14[%add3A_11, %dma_start3A_47] : memref<10000x64xf32, #tpu.memory_space<vmem_shared>> -> memref<208x64xf32, #tpu.memory_space<vmem_shared>>
      tpu.enqueue_dma source(%arg13 : memref<208x64xf32, #tpu.memory_space<vmem>>) target(%dma_start3A_48 : memref<208x64xf32, #tpu.memory_space<vmem_shared>>) target_semaphore(%run_scoped3A : memref<!tpu.dma_semaphore, #tpu.memory_space<semaphore_mem>>)
      %dma_wait3A = arith.constant 0 : i32
      %dma_wait3A_49 = tpu.memref_slice %arg14[%add3A_11, %dma_wait3A] : memref<10000x64xf32, #tpu.memory_space<vmem_shared>> -> memref<208x64xf32, #tpu.memory_space<vmem_shared>>
      %dma_wait3A_50 = arith.constant 0 : i32
      %dma_wait3A_51 = tpu.memref_slice %arg14[%add3A_11, %dma_wait3A_50] : memref<10000x64xf32, #tpu.memory_space<vmem_shared>> -> memref<208x64xf32, #tpu.memory_space<vmem_shared>>
      tpu.wait_dma2 semaphore(%run_scoped3A : memref<!tpu.dma_semaphore, #tpu.memory_space<semaphore_mem>>) src(%arg13 : memref<208x64xf32, #tpu.memory_space<vmem>>) dst(%dma_wait3A_51 : memref<208x64xf32, #tpu.memory_space<vmem_shared>>)
      tpu.yield
    }) : () -> ()
    %mul3A_12 = arith.constant 624 : i32
    %mul3A_13 = arith.muli %arg1, %mul3A_12 : i32
    %add3A_14 = arith.constant 416 : i32
    %add3A_15 = arith.addi %mul3A_13, %add3A_14 : i32
    "tpu.region"() ({
      %run_scoped3A = tpu.sem_alloc : memref<!tpu.dma_semaphore, #tpu.memory_space<semaphore_mem>>
      %dma_start3A = arith.constant 0 : i32
      %dma_start3A_46 = tpu.memref_slice %arg14[%add3A_15, %dma_start3A] : memref<10000x64xf32, #tpu.memory_space<vmem_shared>> -> memref<208x64xf32, #tpu.memory_space<vmem_shared>>
      %dma_start3A_47 = arith.constant 0 : i32
      %dma_start3A_48 = tpu.memref_slice %arg14[%add3A_15, %dma_start3A_47] : memref<10000x64xf32, #tpu.memory_space<vmem_shared>> -> memref<208x64xf32, #tpu.memory_space<vmem_shared>>
      tpu.enqueue_dma source(%arg13 : memref<208x64xf32, #tpu.memory_space<vmem>>) target(%dma_start3A_48 : memref<208x64xf32, #tpu.memory_space<vmem_shared>>) target_semaphore(%run_scoped3A : memref<!tpu.dma_semaphore, #tpu.memory_space<semaphore_mem>>)
      %dma_wait3A = arith.constant 0 : i32
      %dma_wait3A_49 = tpu.memref_slice %arg14[%add3A_15, %dma_wait3A] : memref<10000x64xf32, #tpu.memory_space<vmem_shared>> -> memref<208x64xf32, #tpu.memory_space<vmem_shared>>
      %dma_wait3A_50 = arith.constant 0 : i32
      %dma_wait3A_51 = tpu.memref_slice %arg14[%add3A_15, %dma_wait3A_50] : memref<10000x64xf32, #tpu.memory_space<vmem_shared>> -> memref<208x64xf32, #tpu.memory_space<vmem_shared>>
      tpu.wait_dma2 semaphore(%run_scoped3A : memref<!tpu.dma_semaphore, #tpu.memory_space<semaphore_mem>>) src(%arg13 : memref<208x64xf32, #tpu.memory_space<vmem>>) dst(%dma_wait3A_51 : memref<208x64xf32, #tpu.memory_space<vmem_shared>>)
      tpu.yield
    }) : () -> ()
    %eq3A = arith.constant 0 : i32
    %eq3A_16 = arith.cmpi eq, %arg1, %eq3A : i32
    %convert_element_type3A = arith.extui %eq3A_16 : i1 to i32
    %cond3A = arith.constant 0 : i32
    %cond3A_17 = arith.cmpi ne, %convert_element_type3A, %cond3A : i32
    scf.if %cond3A_17 {
      "tpu.region"() ({
        %run_scoped3A = tpu.sem_alloc : memref<!tpu.dma_semaphore, #tpu.memory_space<semaphore_mem>>
        %dma_start3A = arith.constant 0 : i32
        %dma_start3A_46 = arith.constant 0 : i32
        %dma_start3A_47 = tpu.memref_slice %arg13[%dma_start3A, %dma_start3A_46] : memref<208x64xf32, #tpu.memory_space<vmem>> -> memref<16x64xf32, #tpu.memory_space<vmem>>
        %dma_start3A_48 = arith.constant 9984 : i32
        %dma_start3A_49 = arith.constant 0 : i32
        %dma_start3A_50 = tpu.memref_slice %arg14[%dma_start3A_48, %dma_start3A_49] : memref<10000x64xf32, #tpu.memory_space<vmem_shared>> -> memref<16x64xf32, #tpu.memory_space<vmem_shared>>
        %dma_start3A_51 = arith.constant 9984 : i32
        %dma_start3A_52 = arith.constant 0 : i32
        %dma_start3A_53 = tpu.memref_slice %arg14[%dma_start3A_51, %dma_start3A_52] : memref<10000x64xf32, #tpu.memory_space<vmem_shared>> -> memref<16x64xf32, #tpu.memory_space<vmem_shared>>
        %dma_start3A_54 = arith.constant 0 : i32
        %dma_start3A_55 = arith.constant 0 : i32
        %dma_start3A_56 = tpu.memref_slice %arg13[%dma_start3A_54, %dma_start3A_55] : memref<208x64xf32, #tpu.memory_space<vmem>> -> memref<16x64xf32, #tpu.memory_space<vmem>>
        tpu.enqueue_dma source(%dma_start3A_56 : memref<16x64xf32, #tpu.memory_space<vmem>>) target(%dma_start3A_53 : memref<16x64xf32, #tpu.memory_space<vmem_shared>>) target_semaphore(%run_scoped3A : memref<!tpu.dma_semaphore, #tpu.memory_space<semaphore_mem>>)
        %dma_wait3A = arith.constant 0 : i32
        %dma_wait3A_57 = arith.constant 0 : i32
        %dma_wait3A_58 = tpu.memref_slice %arg13[%dma_wait3A, %dma_wait3A_57] : memref<208x64xf32, #tpu.memory_space<vmem>> -> memref<16x64xf32, #tpu.memory_space<vmem>>
        %dma_wait3A_59 = arith.constant 9984 : i32
        %dma_wait3A_60 = arith.constant 0 : i32
        %dma_wait3A_61 = tpu.memref_slice %arg14[%dma_wait3A_59, %dma_wait3A_60] : memref<10000x64xf32, #tpu.memory_space<vmem_shared>> -> memref<16x64xf32, #tpu.memory_space<vmem_shared>>
        %dma_wait3A_62 = arith.constant 9984 : i32
        %dma_wait3A_63 = arith.constant 0 : i32
        %dma_wait3A_64 = tpu.memref_slice %arg14[%dma_wait3A_62, %dma_wait3A_63] : memref<10000x64xf32, #tpu.memory_space<vmem_shared>> -> memref<16x64xf32, #tpu.memory_space<vmem_shared>>
        %dma_wait3A_65 = arith.constant 0 : i32
        %dma_wait3A_66 = arith.constant 0 : i32
        %dma_wait3A_67 = tpu.memref_slice %arg13[%dma_wait3A_65, %dma_wait3A_66] : memref<208x64xf32, #tpu.memory_space<vmem>> -> memref<16x64xf32, #tpu.memory_space<vmem>>
        tpu.wait_dma2 semaphore(%run_scoped3A : memref<!tpu.dma_semaphore, #tpu.memory_space<semaphore_mem>>) src(%dma_wait3A_67 : memref<16x64xf32, #tpu.memory_space<vmem>>) dst(%dma_wait3A_64 : memref<16x64xf32, #tpu.memory_space<vmem_shared>>)
        tpu.yield
      }) : () -> ()
    } else {
    }
    %mul3A_18 = arith.constant 20000 : i32
    %mul3A_19 = arith.muli %arg1, %mul3A_18 : i32
    "tpu.region"() ({
      %run_scoped3A = tpu.sem_alloc : memref<!tpu.dma_semaphore, #tpu.memory_space<semaphore_mem>>
      %dma_start3A = tpu.memref_slice %arg2[%mul3A_19] : memref<320000xi32, #tpu.memory_space<hbm>> -> memref<20000xi32, #tpu.memory_space<hbm>>
      %dma_start3A_46 = tpu.memref_slice %arg2[%mul3A_19] : memref<320000xi32, #tpu.memory_space<hbm>> -> memref<20000xi32, #tpu.memory_space<hbm>>
      tpu.enqueue_dma source(%dma_start3A_46 : memref<20000xi32, #tpu.memory_space<hbm>>) target(%arg7 : memref<20000xi32, #tpu.memory_space<vmem>>) target_semaphore(%run_scoped3A : memref<!tpu.dma_semaphore, #tpu.memory_space<semaphore_mem>>)
      %dma_wait3A = tpu.memref_slice %arg2[%mul3A_19] : memref<320000xi32, #tpu.memory_space<hbm>> -> memref<20000xi32, #tpu.memory_space<hbm>>
      %dma_wait3A_47 = tpu.memref_slice %arg2[%mul3A_19] : memref<320000xi32, #tpu.memory_space<hbm>> -> memref<20000xi32, #tpu.memory_space<hbm>>
      tpu.wait_dma2 semaphore(%run_scoped3A : memref<!tpu.dma_semaphore, #tpu.memory_space<semaphore_mem>>) src(%dma_wait3A_47 : memref<20000xi32, #tpu.memory_space<hbm>>) dst(%arg7 : memref<20000xi32, #tpu.memory_space<vmem>>)
      tpu.yield
    }) : () -> ()
    "tpu.region"() ({
      %run_scoped3A = tpu.sem_alloc : memref<!tpu.dma_semaphore, #tpu.memory_space<semaphore_mem>>
      %dma_start3A = arith.constant 0 : i32
      %dma_start3A_46 = arith.constant 0 : i32
      %dma_start3A_47 = tpu.memref_slice %arg3[%arg1, %dma_start3A, %dma_start3A_46] : memref<16x250x80xi32, #tpu.memory_space<hbm>> -> memref<1x250x80xi32, #tpu.memory_space<hbm>>
      %dma_start3A_48 = tpu.memref_squeeze %dma_start3A_47 : memref<1x250x80xi32, #tpu.memory_space<hbm>> -> memref<250x80xi32, #tpu.memory_space<hbm>>
      %dma_start3A_49 = arith.constant 0 : i32
      %dma_start3A_50 = arith.constant 0 : i32
      %dma_start3A_51 = tpu.memref_slice %arg3[%arg1, %dma_start3A_49, %dma_start3A_50] : memref<16x250x80xi32, #tpu.memory_space<hbm>> -> memref<1x250x80xi32, #tpu.memory_space<hbm>>
      %dma_start3A_52 = tpu.memref_squeeze %dma_start3A_51 : memref<1x250x80xi32, #tpu.memory_space<hbm>> -> memref<250x80xi32, #tpu.memory_space<hbm>>
      tpu.enqueue_dma source(%dma_start3A_52 : memref<250x80xi32, #tpu.memory_space<hbm>>) target(%arg8 : memref<250x80xi32, #tpu.memory_space<vmem>>) target_semaphore(%run_scoped3A : memref<!tpu.dma_semaphore, #tpu.memory_space<semaphore_mem>>)
      %dma_wait3A = arith.constant 0 : i32
      %dma_wait3A_53 = arith.constant 0 : i32
      %dma_wait3A_54 = tpu.memref_slice %arg3[%arg1, %dma_wait3A, %dma_wait3A_53] : memref<16x250x80xi32, #tpu.memory_space<hbm>> -> memref<1x250x80xi32, #tpu.memory_space<hbm>>
      %dma_wait3A_55 = tpu.memref_squeeze %dma_wait3A_54 : memref<1x250x80xi32, #tpu.memory_space<hbm>> -> memref<250x80xi32, #tpu.memory_space<hbm>>
      %dma_wait3A_56 = arith.constant 0 : i32
      %dma_wait3A_57 = arith.constant 0 : i32
      %dma_wait3A_58 = tpu.memref_slice %arg3[%arg1, %dma_wait3A_56, %dma_wait3A_57] : memref<16x250x80xi32, #tpu.memory_space<hbm>> -> memref<1x250x80xi32, #tpu.memory_space<hbm>>
      %dma_wait3A_59 = tpu.memref_squeeze %dma_wait3A_58 : memref<1x250x80xi32, #tpu.memory_space<hbm>> -> memref<250x80xi32, #tpu.memory_space<hbm>>
      tpu.wait_dma2 semaphore(%run_scoped3A : memref<!tpu.dma_semaphore, #tpu.memory_space<semaphore_mem>>) src(%dma_wait3A_59 : memref<250x80xi32, #tpu.memory_space<hbm>>) dst(%arg8 : memref<250x80xi32, #tpu.memory_space<vmem>>)
      tpu.yield
    }) : () -> ()
    %mul3A_20 = arith.constant 20000 : i32
    %mul3A_21 = arith.muli %arg1, %mul3A_20 : i32
    "tpu.region"() ({
      %run_scoped3A = tpu.sem_alloc : memref<!tpu.dma_semaphore, #tpu.memory_space<semaphore_mem>>
      %dma_start3A = tpu.memref_slice %arg4[%mul3A_21] : memref<320000xf32, #tpu.memory_space<hbm>> -> memref<20000xf32, #tpu.memory_space<hbm>>
      %dma_start3A_46 = tpu.memref_slice %arg4[%mul3A_21] : memref<320000xf32, #tpu.memory_space<hbm>> -> memref<20000xf32, #tpu.memory_space<hbm>>
      tpu.enqueue_dma source(%dma_start3A_46 : memref<20000xf32, #tpu.memory_space<hbm>>) target(%arg9 : memref<20000xf32, #tpu.memory_space<vmem>>) target_semaphore(%run_scoped3A : memref<!tpu.dma_semaphore, #tpu.memory_space<semaphore_mem>>)
      %dma_wait3A = tpu.memref_slice %arg4[%mul3A_21] : memref<320000xf32, #tpu.memory_space<hbm>> -> memref<20000xf32, #tpu.memory_space<hbm>>
      %dma_wait3A_47 = tpu.memref_slice %arg4[%mul3A_21] : memref<320000xf32, #tpu.memory_space<hbm>> -> memref<20000xf32, #tpu.memory_space<hbm>>
      tpu.wait_dma2 semaphore(%run_scoped3A : memref<!tpu.dma_semaphore, #tpu.memory_space<semaphore_mem>>) src(%dma_wait3A_47 : memref<20000xf32, #tpu.memory_space<hbm>>) dst(%arg9 : memref<20000xf32, #tpu.memory_space<vmem>>)
      tpu.yield
    }) : () -> ()
    %scan3A_22 = arith.constant 0 : i32
    %scan3A_23 = arith.constant 0 : i32
    %scan3A_24 = arith.constant 1250 : i32
    %scan3A_25 = arith.addi %scan3A_23, %scan3A_24 : i32
    %scan3A_26 = arith.constant 1 : i32
    %scan3A_27 = scf.for %scan3A_46 = %scan3A_23 to %scan3A_25 step %scan3A_26 iter_args(%scan3A_47 = %scan3A_22) -> (i32)  : i32 {
      %mul3A_48 = arith.constant 16 : i32
      %mul3A_49 = arith.muli %scan3A_46, %mul3A_48 : i32
      %get3A = arith.index_cast %mul3A_49 : i32 to index
      %get3A_50 = tpu.vector_load %arg7[%get3A] {strides = array<i32>} : memref<20000xi32, #tpu.memory_space<vmem>>, vector<16xi32>,
      %mul3A_51 = arith.constant 4 : i32
      %mul3A_52 = vector.broadcast %mul3A_51 : i32 to vector<16xi32>
      %mul3A_53 = arith.muli %get3A_50, %mul3A_52 : vector<16xi32>
      %mul3A_54 = arith.constant 2 : i32
      %mul3A_55 = arith.muli %arg0, %mul3A_54 : i32
      %add3A_56 = vector.broadcast %mul3A_55 : i32 to vector<16xi32>
      %add3A_57 = arith.addi %mul3A_53, %add3A_56 : vector<16xi32>
      %mul3A_58 = arith.constant 16 : i32
      %mul3A_59 = arith.muli %scan3A_46, %mul3A_58 : i32
      %swap3A = arith.index_cast %mul3A_59 : i32 to index
      %swap3A_60 = tpu.vector_load %arg7[%swap3A] {strides = array<i32>} : memref<20000xi32, #tpu.memory_space<vmem>>, vector<16xi32>,
      tpu.vector_store %arg7[%swap3A], %add3A_57 {strides = array<i32>} : memref<20000xi32, #tpu.memory_space<vmem>>, vector<16xi32>,
      %scan3A_61 = arith.constant 0 : i32
      scf.yield %scan3A_61 : i32
    }
    %scan3A_28 = arith.constant 1250 : i32
    %barrier3A = arith.constant 0 : index
    tpu.barrier barrier_id(%barrier3A)
    %scan3A_29 = arith.constant 0 : i32
    %scan3A_30 = arith.constant -2 : i32
    %scan3A_31 = arith.constant 253 : i32
    %scan3A_32 = arith.addi %scan3A_30, %scan3A_31 : i32
    %scan3A_33 = arith.constant 1 : i32
    %scan3A_34 = scf.for %scan3A_46 = %scan3A_30 to %scan3A_32 step %scan3A_33 iter_args(%scan3A_47 = %scan3A_29) -> (i32)  : i32 {
      %add3A_48 = arith.constant 6 : i32
      %add3A_49 = arith.addi %scan3A_46, %add3A_48 : i32
      %rem3A = arith.constant 3 : i32
      %rem3A_50 = arith.remsi %add3A_49, %rem3A : i32
      %eq3A_51 = arith.constant 0 : i32
      %eq3A_52 = arith.cmpi eq, %rem3A_50, %eq3A_51 : i32
      %convert_element_type3A_53 = arith.extui %eq3A_52 : i1 to i32
      %cond3A_54 = arith.constant 0 : i32
      %cond3A_55 = arith.cmpi ne, %convert_element_type3A_53, %cond3A_54 : i32
      scf.if %cond3A_55 {
        %ge3A = arith.constant 0 : i32
        %ge3A_67 = arith.cmpi sge, %scan3A_46, %ge3A : i32
        %lt3A = arith.constant 250 : i32
        %lt3A_68 = arith.cmpi slt, %scan3A_46, %lt3A : i32
        %and3A = arith.andi %ge3A_67, %lt3A_68 : i1
        %convert_element_type3A_69 = arith.extui %and3A : i1 to i32
        %cond3A_70 = arith.constant 0 : i32
        %cond3A_71 = arith.cmpi ne, %convert_element_type3A_69, %cond3A_70 : i32
        scf.if %cond3A_71 {
          %mul3A_84 = arith.constant 80 : i32
          %mul3A_85 = arith.muli %scan3A_46, %mul3A_84 : i32
          %dma_wait3A = tpu.memref_slice %arg7[%mul3A_85] : memref<20000xi32, #tpu.memory_space<vmem>> -> memref<80xi32, #tpu.memory_space<vmem>>
          %dma_wait3A_86 = arith.constant 0 : i32
          %dma_wait3A_87 = arith.constant 0 : i32
          %dma_wait3A_88 = tpu.memref_slice %arg5[%dma_wait3A_86, %dma_wait3A_87] : memref<40000x32xf32, #tpu.memory_space<hbm>> -> memref<40000x32xf32, #tpu.memory_space<hbm>>
          tpu.wait_indirect_dma semaphore(%arg15 : memref<!tpu.dma_semaphore, #tpu.memory_space<semaphore_mem>>) src(%dma_wait3A_88 : memref<40000x32xf32, #tpu.memory_space<hbm>>) dst(%arg10 : memref<80x32xf32, #tpu.memory_space<vmem>>)
        } else {
        }
        %ge3A_72 = arith.constant 1 : i32
        %ge3A_73 = arith.cmpi sge, %scan3A_46, %ge3A_72 : i32
        %convert_element_type3A_74 = arith.extui %ge3A_73 : i1 to i32
        %cond3A_75 = arith.constant 0 : i32
        %cond3A_76 = arith.cmpi ne, %convert_element_type3A_74, %cond3A_75 : i32
        scf.if %cond3A_76 {
          %sub3A = arith.constant 1 : i32
          %sub3A_84 = arith.subi %scan3A_46, %sub3A : i32
        } else {
        }
        %add3A_77 = arith.constant 2 : i32
        %add3A_78 = arith.addi %scan3A_46, %add3A_77 : i32
        %lt3A_79 = arith.constant 250 : i32
        %lt3A_80 = arith.cmpi slt, %add3A_78, %lt3A_79 : i32
        %convert_element_type3A_81 = arith.extui %lt3A_80 : i1 to i32
        %cond3A_82 = arith.constant 0 : i32
        %cond3A_83 = arith.cmpi ne, %convert_element_type3A_81, %cond3A_82 : i32
        scf.if %cond3A_83 {
          %add3A_84 = arith.constant 2 : i32
          %add3A_85 = arith.addi %scan3A_46, %add3A_84 : i32
          %mul3A_86 = arith.constant 80 : i32
          %mul3A_87 = arith.muli %add3A_85, %mul3A_86 : i32
          %dma_start3A = tpu.memref_slice %arg7[%mul3A_87] : memref<20000xi32, #tpu.memory_space<vmem>> -> memref<80xi32, #tpu.memory_space<vmem>>
          %dma_start3A_88 = arith.constant 0 : i32
          %dma_start3A_89 = arith.constant 0 : i32
          %dma_start3A_90 = tpu.memref_slice %arg5[%dma_start3A_88, %dma_start3A_89] : memref<40000x32xf32, #tpu.memory_space<hbm>> -> memref<40000x32xf32, #tpu.memory_space<hbm>>
          tpu.enqueue_indirect_dma source(%dma_start3A_90 : memref<40000x32xf32, #tpu.memory_space<hbm>>) target(%arg12 : memref<80x32xf32, #tpu.memory_space<vmem>>) offsets(%dma_start3A : memref<80xi32, #tpu.memory_space<vmem>>) semaphore(%arg17 : memref<!tpu.dma_semaphore, #tpu.memory_space<semaphore_mem>>)
        } else {
        }
      } else {
      }
      %eq3A_56 = arith.constant 1 : i32
      %eq3A_57 = arith.cmpi eq, %rem3A_50, %eq3A_56 : i32
      %convert_element_type3A_58 = arith.extui %eq3A_57 : i1 to i32
      %cond3A_59 = arith.constant 0 : i32
      %cond3A_60 = arith.cmpi ne, %convert_element_type3A_58, %cond3A_59 : i32
      scf.if %cond3A_60 {
        %ge3A = arith.constant 0 : i32
        %ge3A_67 = arith.cmpi sge, %scan3A_46, %ge3A : i32
        %lt3A = arith.constant 250 : i32
        %lt3A_68 = arith.cmpi slt, %scan3A_46, %lt3A : i32
        %and3A = arith.andi %ge3A_67, %lt3A_68 : i1
        %convert_element_type3A_69 = arith.extui %and3A : i1 to i32
        %cond3A_70 = arith.constant 0 : i32
        %cond3A_71 = arith.cmpi ne, %convert_element_type3A_69, %cond3A_70 : i32
        scf.if %cond3A_71 {
          %mul3A_84 = arith.constant 80 : i32
          %mul3A_85 = arith.muli %scan3A_46, %mul3A_84 : i32
          %dma_wait3A = tpu.memref_slice %arg7[%mul3A_85] : memref<20000xi32, #tpu.memory_space<vmem>> -> memref<80xi32, #tpu.memory_space<vmem>>
          %dma_wait3A_86 = arith.constant 0 : i32
          %dma_wait3A_87 = arith.constant 0 : i32
          %dma_wait3A_88 = tpu.memref_slice %arg5[%dma_wait3A_86, %dma_wait3A_87] : memref<40000x32xf32, #tpu.memory_space<hbm>> -> memref<40000x32xf32, #tpu.memory_space<hbm>>
          tpu.wait_indirect_dma semaphore(%arg16 : memref<!tpu.dma_semaphore, #tpu.memory_space<semaphore_mem>>) src(%dma_wait3A_88 : memref<40000x32xf32, #tpu.memory_space<hbm>>) dst(%arg11 : memref<80x32xf32, #tpu.memory_space<vmem>>)
        } else {
        }
        %ge3A_72 = arith.constant 1 : i32
        %ge3A_73 = arith.cmpi sge, %scan3A_46, %ge3A_72 : i32
        %convert_element_type3A_74 = arith.extui %ge3A_73 : i1 to i32
        %cond3A_75 = arith.constant 0 : i32
        %cond3A_76 = arith.cmpi ne, %convert_element_type3A_74, %cond3A_75 : i32
        scf.if %cond3A_76 {
          %sub3A = arith.constant 1 : i32
          %sub3A_84 = arith.subi %scan3A_46, %sub3A : i32
        } else {
        }
        %add3A_77 = arith.constant 2 : i32
        %add3A_78 = arith.addi %scan3A_46, %add3A_77 : i32
        %lt3A_79 = arith.constant 250 : i32
        %lt3A_80 = arith.cmpi slt, %add3A_78, %lt3A_79 : i32
        %convert_element_type3A_81 = arith.extui %lt3A_80 : i1 to i32
        %cond3A_82 = arith.constant 0 : i32
        %cond3A_83 = arith.cmpi ne, %convert_element_type3A_81, %cond3A_82 : i32
        scf.if %cond3A_83 {
          %add3A_84 = arith.constant 2 : i32
          %add3A_85 = arith.addi %scan3A_46, %add3A_84 : i32
          %mul3A_86 = arith.constant 80 : i32
          %mul3A_87 = arith.muli %add3A_85, %mul3A_86 : i32
          %dma_start3A = tpu.memref_slice %arg7[%mul3A_87] : memref<20000xi32, #tpu.memory_space<vmem>> -> memref<80xi32, #tpu.memory_space<vmem>>
          %dma_start3A_88 = arith.constant 0 : i32
          %dma_start3A_89 = arith.constant 0 : i32
          %dma_start3A_90 = tpu.memref_slice %arg5[%dma_start3A_88, %dma_start3A_89] : memref<40000x32xf32, #tpu.memory_space<hbm>> -> memref<40000x32xf32, #tpu.memory_space<hbm>>
          tpu.enqueue_indirect_dma source(%dma_start3A_90 : memref<40000x32xf32, #tpu.memory_space<hbm>>) target(%arg10 : memref<80x32xf32, #tpu.memory_space<vmem>>) offsets(%dma_start3A : memref<80xi32, #tpu.memory_space<vmem>>) semaphore(%arg15 : memref<!tpu.dma_semaphore, #tpu.memory_space<semaphore_mem>>)
        } else {
        }
      } else {
      }
      %eq3A_61 = arith.constant 2 : i32
      %eq3A_62 = arith.cmpi eq, %rem3A_50, %eq3A_61 : i32
      %convert_element_type3A_63 = arith.extui %eq3A_62 : i1 to i32
      %cond3A_64 = arith.constant 0 : i32
      %cond3A_65 = arith.cmpi ne, %convert_element_type3A_63, %cond3A_64 : i32
      scf.if %cond3A_65 {
        %ge3A = arith.constant 0 : i32
        %ge3A_67 = arith.cmpi sge, %scan3A_46, %ge3A : i32
        %lt3A = arith.constant 250 : i32
        %lt3A_68 = arith.cmpi slt, %scan3A_46, %lt3A : i32
        %and3A = arith.andi %ge3A_67, %lt3A_68 : i1
        %convert_element_type3A_69 = arith.extui %and3A : i1 to i32
        %cond3A_70 = arith.constant 0 : i32
        %cond3A_71 = arith.cmpi ne, %convert_element_type3A_69, %cond3A_70 : i32
        scf.if %cond3A_71 {
          %mul3A_84 = arith.constant 80 : i32
          %mul3A_85 = arith.muli %scan3A_46, %mul3A_84 : i32
          %dma_wait3A = tpu.memref_slice %arg7[%mul3A_85] : memref<20000xi32, #tpu.memory_space<vmem>> -> memref<80xi32, #tpu.memory_space<vmem>>
          %dma_wait3A_86 = arith.constant 0 : i32
          %dma_wait3A_87 = arith.constant 0 : i32
          %dma_wait3A_88 = tpu.memref_slice %arg5[%dma_wait3A_86, %dma_wait3A_87] : memref<40000x32xf32, #tpu.memory_space<hbm>> -> memref<40000x32xf32, #tpu.memory_space<hbm>>
          tpu.wait_indirect_dma semaphore(%arg17 : memref<!tpu.dma_semaphore, #tpu.memory_space<semaphore_mem>>) src(%dma_wait3A_88 : memref<40000x32xf32, #tpu.memory_space<hbm>>) dst(%arg12 : memref<80x32xf32, #tpu.memory_space<vmem>>)
        } else {
        }
        %ge3A_72 = arith.constant 1 : i32
        %ge3A_73 = arith.cmpi sge, %scan3A_46, %ge3A_72 : i32
        %convert_element_type3A_74 = arith.extui %ge3A_73 : i1 to i32
        %cond3A_75 = arith.constant 0 : i32
        %cond3A_76 = arith.cmpi ne, %convert_element_type3A_74, %cond3A_75 : i32
        scf.if %cond3A_76 {
          %sub3A = arith.constant 1 : i32
          %sub3A_84 = arith.subi %scan3A_46, %sub3A : i32
        } else {
        }
        %add3A_77 = arith.constant 2 : i32
        %add3A_78 = arith.addi %scan3A_46, %add3A_77 : i32
        %lt3A_79 = arith.constant 250 : i32
        %lt3A_80 = arith.cmpi slt, %add3A_78, %lt3A_79 : i32
        %convert_element_type3A_81 = arith.extui %lt3A_80 : i1 to i32
        %cond3A_82 = arith.constant 0 : i32
        %cond3A_83 = arith.cmpi ne, %convert_element_type3A_81, %cond3A_82 : i32
        scf.if %cond3A_83 {
          %add3A_84 = arith.constant 2 : i32
          %add3A_85 = arith.addi %scan3A_46, %add3A_84 : i32
          %mul3A_86 = arith.constant 80 : i32
          %mul3A_87 = arith.muli %add3A_85, %mul3A_86 : i32
          %dma_start3A = tpu.memref_slice %arg7[%mul3A_87] : memref<20000xi32, #tpu.memory_space<vmem>> -> memref<80xi32, #tpu.memory_space<vmem>>
          %dma_start3A_88 = arith.constant 0 : i32
          %dma_start3A_89 = arith.constant 0 : i32
          %dma_start3A_90 = tpu.memref_slice %arg5[%dma_start3A_88, %dma_start3A_89] : memref<40000x32xf32, #tpu.memory_space<hbm>> -> memref<40000x32xf32, #tpu.memory_space<hbm>>
          tpu.enqueue_indirect_dma source(%dma_start3A_90 : memref<40000x32xf32, #tpu.memory_space<hbm>>) target(%arg11 : memref<80x32xf32, #tpu.memory_space<vmem>>) offsets(%dma_start3A : memref<80xi32, #tpu.memory_space<vmem>>) semaphore(%arg16 : memref<!tpu.dma_semaphore, #tpu.memory_space<semaphore_mem>>)
        } else {
        }
      } else {
      }
      %scan3A_66 = arith.constant 0 : i32
      scf.yield %scan3A_66 : i32
    }
    %scan3A_35 = arith.constant 253 : i32
    %barrier3A_36 = arith.constant 0 : index
    tpu.barrier barrier_id(%barrier3A_36)
    %mul3A_37 = arith.constant 624 : i32
    %mul3A_38 = arith.muli %arg1, %mul3A_37 : i32
    %mul3A_39 = arith.constant 624 : i32
    %mul3A_40 = arith.muli %arg1, %mul3A_39 : i32
    "tpu.region"() ({
      %run_scoped3A = tpu.sem_alloc : memref<!tpu.dma_semaphore, #tpu.memory_space<semaphore_mem>>
      %dma_start3A = arith.constant 0 : i32
      %dma_start3A_46 = tpu.memref_slice %arg6[%arg0, %mul3A_40, %dma_start3A] : memref<2x10000x64xf32, #tpu.memory_space<hbm>> -> memref<1x624x64xf32, #tpu.memory_space<hbm>>
      %dma_start3A_47 = tpu.memref_squeeze %dma_start3A_46 : memref<1x624x64xf32, #tpu.memory_space<hbm>> -> memref<624x64xf32, #tpu.memory_space<hbm>>
      %dma_start3A_48 = arith.constant 0 : i32
      %dma_start3A_49 = tpu.memref_slice %arg14[%mul3A_38, %dma_start3A_48] : memref<10000x64xf32, #tpu.memory_space<vmem_shared>> -> memref<624x64xf32, #tpu.memory_space<vmem_shared>>
      tpu.enqueue_dma source(%dma_start3A_49 : memref<624x64xf32, #tpu.memory_space<vmem_shared>>) target(%dma_start3A_47 : memref<624x64xf32, #tpu.memory_space<hbm>>) target_semaphore(%run_scoped3A : memref<!tpu.dma_semaphore, #tpu.memory_space<semaphore_mem>>)
      %dma_wait3A = arith.constant 0 : i32
      %dma_wait3A_50 = tpu.memref_slice %arg6[%arg0, %mul3A_40, %dma_wait3A] : memref<2x10000x64xf32, #tpu.memory_space<hbm>> -> memref<1x624x64xf32, #tpu.memory_space<hbm>>
      %dma_wait3A_51 = tpu.memref_squeeze %dma_wait3A_50 : memref<1x624x64xf32, #tpu.memory_space<hbm>> -> memref<624x64xf32, #tpu.memory_space<hbm>>
      %dma_wait3A_52 = arith.constant 0 : i32
      %dma_wait3A_53 = tpu.memref_slice %arg14[%mul3A_38, %dma_wait3A_52] : memref<10000x64xf32, #tpu.memory_space<vmem_shared>> -> memref<624x64xf32, #tpu.memory_space<vmem_shared>>
      tpu.wait_dma2 semaphore(%run_scoped3A : memref<!tpu.dma_semaphore, #tpu.memory_space<semaphore_mem>>) src(%dma_wait3A_53 : memref<624x64xf32, #tpu.memory_space<vmem_shared>>) dst(%dma_wait3A_51 : memref<624x64xf32, #tpu.memory_space<hbm>>)
      tpu.yield
    }) : () -> ()
    %eq3A_41 = arith.constant 0 : i32
    %eq3A_42 = arith.cmpi eq, %arg1, %eq3A_41 : i32
    %convert_element_type3A_43 = arith.extui %eq3A_42 : i1 to i32
    %cond3A_44 = arith.constant 0 : i32
    %cond3A_45 = arith.cmpi ne, %convert_element_type3A_43, %cond3A_44 : i32
    scf.if %cond3A_45 {
      "tpu.region"() ({
        %run_scoped3A = tpu.sem_alloc : memref<!tpu.dma_semaphore, #tpu.memory_space<semaphore_mem>>
        %dma_start3A = arith.constant 9984 : i32
        %dma_start3A_46 = arith.constant 0 : i32
        %dma_start3A_47 = tpu.memref_slice %arg6[%arg0, %dma_start3A, %dma_start3A_46] : memref<2x10000x64xf32, #tpu.memory_space<hbm>> -> memref<1x16x64xf32, #tpu.memory_space<hbm>>
        %dma_start3A_48 = tpu.memref_squeeze %dma_start3A_47 : memref<1x16x64xf32, #tpu.memory_space<hbm>> -> memref<16x64xf32, #tpu.memory_space<hbm>>
        %dma_start3A_49 = arith.constant 9984 : i32
        %dma_start3A_50 = arith.constant 0 : i32
        %dma_start3A_51 = tpu.memref_slice %arg14[%dma_start3A_49, %dma_start3A_50] : memref<10000x64xf32, #tpu.memory_space<vmem_shared>> -> memref<16x64xf32, #tpu.memory_space<vmem_shared>>
        tpu.enqueue_dma source(%dma_start3A_51 : memref<16x64xf32, #tpu.memory_space<vmem_shared>>) target(%dma_start3A_48 : memref<16x64xf32, #tpu.memory_space<hbm>>) target_semaphore(%run_scoped3A : memref<!tpu.dma_semaphore, #tpu.memory_space<semaphore_mem>>)
        %dma_wait3A = arith.constant 9984 : i32
        %dma_wait3A_52 = arith.constant 0 : i32
        %dma_wait3A_53 = tpu.memref_slice %arg6[%arg0, %dma_wait3A, %dma_wait3A_52] : memref<2x10000x64xf32, #tpu.memory_space<hbm>> -> memref<1x16x64xf32, #tpu.memory_space<hbm>>
        %dma_wait3A_54 = tpu.memref_squeeze %dma_wait3A_53 : memref<1x16x64xf32, #tpu.memory_space<hbm>> -> memref<16x64xf32, #tpu.memory_space<hbm>>
        %dma_wait3A_55 = arith.constant 9984 : i32
        %dma_wait3A_56 = arith.constant 0 : i32
        %dma_wait3A_57 = tpu.memref_slice %arg14[%dma_wait3A_55, %dma_wait3A_56] : memref<10000x64xf32, #tpu.memory_space<vmem_shared>> -> memref<16x64xf32, #tpu.memory_space<vmem_shared>>
        tpu.wait_dma2 semaphore(%run_scoped3A : memref<!tpu.dma_semaphore, #tpu.memory_space<semaphore_mem>>) src(%dma_wait3A_57 : memref<16x64xf32, #tpu.memory_space<vmem_shared>>) dst(%dma_wait3A_54 : memref<16x64xf32, #tpu.memory_space<hbm>>)
        tpu.yield
      }) : () -> ()
    } else {
    }
    return
  }
}

module attributes {stable_mosaic.version = 14 : i64} {
  func.func @_k2_body(%arg0: memref<32x10000xf32, #tpu.memory_space<vmem>>, %arg1: memref<10000x128xf32, #tpu.memory_space<vmem>>, %arg2: memref<128x128xf32, #tpu.memory_space<vmem>>, %arg3: memref<10000xf32, #tpu.memory_space<vmem>>, %arg4: memref<10000x128xf32, #tpu.memory_space<vmem>>) attributes {dimension_semantics = [], scalar_prefetch = 0 : i64, scratch_operands = 0 : i64, tpu.core_type = #tpu.core_type<tc>} {
    %get3A = arith.constant 0 : index
    %get3A_0 = arith.constant 0 : index
    %get3A_1 = vector.load %arg0[%get3A, %get3A_0] : memref<32x10000xf32, #tpu.memory_space<vmem>>, vector<32x10000xf32>
    %reduce_sum3A = arith.constant dense<0.000000e+00> : vector<10000xf32>
    %reduce_sum3A_2 = vector.multi_reduction <add>, %get3A_1, %reduce_sum3A [0] : vector<32x10000xf32> to vector<10000xf32>
    %add3A = arith.constant 1.000000e+00 : f32
    %add3A_3 = vector.broadcast %add3A : f32 to vector<10000xf32>
    %add3A_4 = arith.addf %reduce_sum3A_2, %add3A_3 : vector<10000xf32>
    %rsqrt3A = math.rsqrt %add3A_4 : vector<10000xf32>
    %swap3A = arith.constant 0 : index
    %swap3A_5 = vector.load %arg3[%swap3A] : memref<10000xf32, #tpu.memory_space<vmem>>, vector<10000xf32>
    tpu.vector_store %arg3[%swap3A], %rsqrt3A {strides = array<i32>} : memref<10000xf32, #tpu.memory_space<vmem>>, vector<10000xf32>,
    %get3A_6 = arith.constant 0 : index
    %get3A_7 = arith.constant 0 : index
    %get3A_8 = vector.load %arg1[%get3A_6, %get3A_7] : memref<10000x128xf32, #tpu.memory_space<vmem>>, vector<10000x128xf32>
    %get3A_9 = arith.constant 0 : index
    %get3A_10 = arith.constant 0 : index
    %get3A_11 = vector.load %arg2[%get3A_9, %get3A_10] : memref<128x128xf32, #tpu.memory_space<vmem>>, vector<128x128xf32>
    %dot_general3A = arith.constant dense<0.000000e+00> : vector<10000x128xf32>
    %dot_general3A_12 = tpu.matmul %get3A_8, %get3A_11, %dot_general3A {dimension_numbers = #tpu.dot_dimension_numbers<[1], [0], [0], [1], [0, 0, 1, 1], [], []>, transpose_lhs_hint = false} : vector<10000x128xf32>, vector<128x128xf32>, vector<10000x128xf32> -> vector<10000x128xf32>
    %broadcast_in_dim3A = vector.shape_cast %rsqrt3A : vector<10000xf32> to vector<10000x1xf32>
    %mul3A = vector.broadcast %broadcast_in_dim3A : vector<10000x1xf32> to vector<10000x128xf32>
    %mul3A_13 = arith.mulf %dot_general3A_12, %mul3A : vector<10000x128xf32>
    %swap3A_14 = arith.constant 0 : index
    %swap3A_15 = arith.constant 0 : index
    %swap3A_16 = vector.load %arg4[%swap3A_14, %swap3A_15] : memref<10000x128xf32, #tpu.memory_space<vmem>>, vector<10000x128xf32>
    tpu.vector_store %arg4[%swap3A_14, %swap3A_15], %mul3A_13 {strides = array<i32>} : memref<10000x128xf32, #tpu.memory_space<vmem>>, vector<10000x128xf32>,
    return
  }
}

module attributes {stable_mosaic.version = 14 : i64} {
  func.func @_k4_body(%arg0: memref<2x10000x64xf32, #tpu.memory_space<vmem>>, %arg1: memref<10000x128xf32, #tpu.memory_space<vmem>>, %arg2: memref<10000xf32, #tpu.memory_space<vmem>>, %arg3: memref<128xf32, #tpu.memory_space<vmem>>, %arg4: memref<128xf32, #tpu.memory_space<vmem>>, %arg5: memref<128xf32, #tpu.memory_space<vmem>>, %arg6: memref<128x128xf32, #tpu.memory_space<vmem>>, %arg7: memref<10000x128xf32, #tpu.memory_space<vmem>>, %arg8: memref<10000x128xf32, #tpu.memory_space<vmem>>) attributes {dimension_semantics = [], scalar_prefetch = 0 : i64, scratch_operands = 0 : i64, tpu.core_type = #tpu.core_type<tc>} {
    %get3A = arith.constant 0 : index
    %get3A_0 = arith.constant 0 : index
    %get3A_1 = arith.constant 0 : index
    %get3A_2 = vector.load %arg0[%get3A, %get3A_0, %get3A_1] : memref<2x10000x64xf32, #tpu.memory_space<vmem>>, vector<2x10000x64xf32>
    %slice3A = vector.extract_strided_slice %get3A_2 {offsets = [0, 0, 0], sizes = [1, 10000, 64], strides = [1, 1, 1]} : vector<2x10000x64xf32> to vector<1x10000x64xf32>
    %squeeze3A = vector.shape_cast %slice3A : vector<1x10000x64xf32> to vector<10000x64xf32>
    %slice3A_3 = vector.extract_strided_slice %get3A_2 {offsets = [1, 0, 0], sizes = [1, 10000, 64], strides = [1, 1, 1]} : vector<2x10000x64xf32> to vector<1x10000x64xf32>
    %squeeze3A_4 = vector.shape_cast %slice3A_3 : vector<1x10000x64xf32> to vector<10000x64xf32>
    %concatenate3A = tpu.concatenate %squeeze3A, %squeeze3A_4 in 1 : vector<10000x64xf32>, vector<10000x64xf32> -> vector<10000x128xf32>
    %get3A_5 = arith.constant 0 : index
    %get3A_6 = vector.load %arg2[%get3A_5] : memref<10000xf32, #tpu.memory_space<vmem>>, vector<10000xf32>
    %broadcast_in_dim3A = vector.shape_cast %get3A_6 : vector<10000xf32> to vector<10000x1xf32>
    %get3A_7 = arith.constant 0 : index
    %get3A_8 = arith.constant 0 : index
    %get3A_9 = vector.load %arg1[%get3A_7, %get3A_8] : memref<10000x128xf32, #tpu.memory_space<vmem>>, vector<10000x128xf32>
    %add3A = arith.addf %concatenate3A, %get3A_9 : vector<10000x128xf32>
    %mul3A = vector.broadcast %broadcast_in_dim3A : vector<10000x1xf32> to vector<10000x128xf32>
    %mul3A_10 = arith.mulf %mul3A, %add3A : vector<10000x128xf32>
    %get3A_11 = arith.constant 0 : index
    %get3A_12 = vector.load %arg3[%get3A_11] : memref<128xf32, #tpu.memory_space<vmem>>, vector<128xf32>
    %broadcast_in_dim3A_13 = vector.shape_cast %get3A_12 : vector<128xf32> to vector<1x128xf32>
    %add3A_14 = vector.broadcast %broadcast_in_dim3A_13 : vector<1x128xf32> to vector<10000x128xf32>
    %add3A_15 = arith.addf %mul3A_10, %add3A_14 : vector<10000x128xf32>
    %reduce_sum3A = arith.constant dense<0.000000e+00> : vector<128xf32>
    %reduce_sum3A_16 = vector.multi_reduction <add>, %add3A_15, %reduce_sum3A [0] : vector<10000x128xf32> to vector<128xf32>
    %div3A = arith.constant 1.000000e+04 : f32
    %div3A_17 = vector.broadcast %div3A : f32 to vector<128xf32>
    %div3A_18 = arith.divf %reduce_sum3A_16, %div3A_17 : vector<128xf32>
    %broadcast_in_dim3A_19 = vector.shape_cast %div3A_18 : vector<128xf32> to vector<1x128xf32>
    %sub3A = vector.broadcast %broadcast_in_dim3A_19 : vector<1x128xf32> to vector<10000x128xf32>
    %sub3A_20 = arith.subf %add3A_15, %sub3A : vector<10000x128xf32>
    %integer_pow3A = arith.mulf %sub3A_20, %sub3A_20 : vector<10000x128xf32>
    %reduce_sum3A_21 = arith.constant dense<0.000000e+00> : vector<128xf32>
    %reduce_sum3A_22 = vector.multi_reduction <add>, %integer_pow3A, %reduce_sum3A_21 [0] : vector<10000x128xf32> to vector<128xf32>
    %div3A_23 = arith.constant 1.000000e+04 : f32
    %div3A_24 = vector.broadcast %div3A_23 : f32 to vector<128xf32>
    %div3A_25 = arith.divf %reduce_sum3A_22, %div3A_24 : vector<128xf32>
    %broadcast_in_dim3A_26 = vector.shape_cast %div3A_18 : vector<128xf32> to vector<1x128xf32>
    %sub3A_27 = vector.broadcast %broadcast_in_dim3A_26 : vector<1x128xf32> to vector<10000x128xf32>
    %sub3A_28 = arith.subf %add3A_15, %sub3A_27 : vector<10000x128xf32>
    %add3A_29 = arith.constant 9.99999974E-6 : f32
    %add3A_30 = vector.broadcast %add3A_29 : f32 to vector<128xf32>
    %add3A_31 = arith.addf %div3A_25, %add3A_30 : vector<128xf32>
    %rsqrt3A = math.rsqrt %add3A_31 : vector<128xf32>
    %broadcast_in_dim3A_32 = vector.shape_cast %rsqrt3A : vector<128xf32> to vector<1x128xf32>
    %mul3A_33 = vector.broadcast %broadcast_in_dim3A_32 : vector<1x128xf32> to vector<10000x128xf32>
    %mul3A_34 = arith.mulf %sub3A_28, %mul3A_33 : vector<10000x128xf32>
    %get3A_35 = arith.constant 0 : index
    %get3A_36 = vector.load %arg4[%get3A_35] : memref<128xf32, #tpu.memory_space<vmem>>, vector<128xf32>
    %broadcast_in_dim3A_37 = vector.shape_cast %get3A_36 : vector<128xf32> to vector<1x128xf32>
    %mul3A_38 = vector.broadcast %broadcast_in_dim3A_37 : vector<1x128xf32> to vector<10000x128xf32>
    %mul3A_39 = arith.mulf %mul3A_34, %mul3A_38 : vector<10000x128xf32>
    %get3A_40 = arith.constant 0 : index
    %get3A_41 = vector.load %arg5[%get3A_40] : memref<128xf32, #tpu.memory_space<vmem>>, vector<128xf32>
    %broadcast_in_dim3A_42 = vector.shape_cast %get3A_41 : vector<128xf32> to vector<1x128xf32>
    %add3A_43 = vector.broadcast %broadcast_in_dim3A_42 : vector<1x128xf32> to vector<10000x128xf32>
    %add3A_44 = arith.addf %mul3A_39, %add3A_43 : vector<10000x128xf32>
    %gt3A = arith.constant 0.000000e+00 : f32
    %gt3A_45 = vector.broadcast %gt3A : f32 to vector<10000x128xf32>
    %gt3A_46 = arith.cmpf ogt, %add3A_44, %gt3A_45 : vector<10000x128xf32>
    %min3A = arith.constant 0.000000e+00 : f32
    %min3A_47 = vector.broadcast %min3A : f32 to vector<10000x128xf32>
    %min3A_48 = arith.minimumf %add3A_44, %min3A_47 : vector<10000x128xf32>
    %exp3A = math.exp %min3A_48 : vector<10000x128xf32>
    %sub3A_49 = arith.constant 1.000000e+00 : f32
    %sub3A_50 = vector.broadcast %sub3A_49 : f32 to vector<10000x128xf32>
    %sub3A_51 = arith.subf %exp3A, %sub3A_50 : vector<10000x128xf32>
    %select_n3A = arith.select %gt3A_46, %add3A_44, %sub3A_51 : vector<10000x128xi1>, vector<10000x128xf32>
    %swap3A = arith.constant 0 : index
    %swap3A_52 = arith.constant 0 : index
    %swap3A_53 = vector.load %arg7[%swap3A, %swap3A_52] : memref<10000x128xf32, #tpu.memory_space<vmem>>, vector<10000x128xf32>
    tpu.vector_store %arg7[%swap3A, %swap3A_52], %select_n3A {strides = array<i32>} : memref<10000x128xf32, #tpu.memory_space<vmem>>, vector<10000x128xf32>,
    %get3A_54 = arith.constant 0 : index
    %get3A_55 = arith.constant 0 : index
    %get3A_56 = vector.load %arg6[%get3A_54, %get3A_55] : memref<128x128xf32, #tpu.memory_space<vmem>>, vector<128x128xf32>
    %dot_general3A = arith.constant dense<0.000000e+00> : vector<10000x128xf32>
    %dot_general3A_57 = tpu.matmul %select_n3A, %get3A_56, %dot_general3A {dimension_numbers = #tpu.dot_dimension_numbers<[1], [0], [0], [1], [0, 0, 1, 1], [], []>, transpose_lhs_hint = false} : vector<10000x128xf32>, vector<128x128xf32>, vector<10000x128xf32> -> vector<10000x128xf32>
    %mul3A_58 = vector.broadcast %broadcast_in_dim3A : vector<10000x1xf32> to vector<10000x128xf32>
    %mul3A_59 = arith.mulf %dot_general3A_57, %mul3A_58 : vector<10000x128xf32>
    %swap3A_60 = arith.constant 0 : index
    %swap3A_61 = arith.constant 0 : index
    %swap3A_62 = vector.load %arg8[%swap3A_60, %swap3A_61] : memref<10000x128xf32, #tpu.memory_space<vmem>>, vector<10000x128xf32>
    tpu.vector_store %arg8[%swap3A_60, %swap3A_61], %mul3A_59 {strides = array<i32>} : memref<10000x128xf32, #tpu.memory_space<vmem>>, vector<10000x128xf32>,
    return
  }
}

module attributes {stable_mosaic.version = 14 : i64} {
  func.func @_k6_body(%arg0: memref<2x10000x64xf32, #tpu.memory_space<vmem>>, %arg1: memref<10000x128xf32, #tpu.memory_space<vmem>>, %arg2: memref<10000xf32, #tpu.memory_space<vmem>>, %arg3: memref<128xf32, #tpu.memory_space<vmem>>, %arg4: memref<10000x128xf32, #tpu.memory_space<vmem>>, %arg5: memref<10000x128xf32, #tpu.memory_space<vmem>>, %arg6: memref<10000x128xf32, #tpu.memory_space<vmem>>) attributes {dimension_semantics = [], scalar_prefetch = 0 : i64, scratch_operands = 0 : i64, tpu.core_type = #tpu.core_type<tc>} {
    %get3A = arith.constant 0 : index
    %get3A_0 = arith.constant 0 : index
    %get3A_1 = arith.constant 0 : index
    %get3A_2 = vector.load %arg0[%get3A, %get3A_0, %get3A_1] : memref<2x10000x64xf32, #tpu.memory_space<vmem>>, vector<2x10000x64xf32>
    %slice3A = vector.extract_strided_slice %get3A_2 {offsets = [0, 0, 0], sizes = [1, 10000, 64], strides = [1, 1, 1]} : vector<2x10000x64xf32> to vector<1x10000x64xf32>
    %squeeze3A = vector.shape_cast %slice3A : vector<1x10000x64xf32> to vector<10000x64xf32>
    %slice3A_3 = vector.extract_strided_slice %get3A_2 {offsets = [1, 0, 0], sizes = [1, 10000, 64], strides = [1, 1, 1]} : vector<2x10000x64xf32> to vector<1x10000x64xf32>
    %squeeze3A_4 = vector.shape_cast %slice3A_3 : vector<1x10000x64xf32> to vector<10000x64xf32>
    %concatenate3A = tpu.concatenate %squeeze3A, %squeeze3A_4 in 1 : vector<10000x64xf32>, vector<10000x64xf32> -> vector<10000x128xf32>
    %get3A_5 = arith.constant 0 : index
    %get3A_6 = vector.load %arg2[%get3A_5] : memref<10000xf32, #tpu.memory_space<vmem>>, vector<10000xf32>
    %broadcast_in_dim3A = vector.shape_cast %get3A_6 : vector<10000xf32> to vector<10000x1xf32>
    %get3A_7 = arith.constant 0 : index
    %get3A_8 = arith.constant 0 : index
    %get3A_9 = vector.load %arg1[%get3A_7, %get3A_8] : memref<10000x128xf32, #tpu.memory_space<vmem>>, vector<10000x128xf32>
    %add3A = arith.addf %concatenate3A, %get3A_9 : vector<10000x128xf32>
    %mul3A = vector.broadcast %broadcast_in_dim3A : vector<10000x1xf32> to vector<10000x128xf32>
    %mul3A_10 = arith.mulf %mul3A, %add3A : vector<10000x128xf32>
    %get3A_11 = arith.constant 0 : index
    %get3A_12 = vector.load %arg3[%get3A_11] : memref<128xf32, #tpu.memory_space<vmem>>, vector<128xf32>
    %broadcast_in_dim3A_13 = vector.shape_cast %get3A_12 : vector<128xf32> to vector<1x128xf32>
    %add3A_14 = vector.broadcast %broadcast_in_dim3A_13 : vector<1x128xf32> to vector<10000x128xf32>
    %add3A_15 = arith.addf %mul3A_10, %add3A_14 : vector<10000x128xf32>
    %get3A_16 = arith.constant 0 : index
    %get3A_17 = arith.constant 0 : index
    %get3A_18 = vector.load %arg4[%get3A_16, %get3A_17] : memref<10000x128xf32, #tpu.memory_space<vmem>>, vector<10000x128xf32>
    %get3A_19 = arith.constant 0 : index
    %get3A_20 = arith.constant 0 : index
    %get3A_21 = vector.load %arg5[%get3A_19, %get3A_20] : memref<10000x128xf32, #tpu.memory_space<vmem>>, vector<10000x128xf32>
    %add3A_22 = arith.addf %get3A_18, %get3A_21 : vector<10000x128xf32>
    %add3A_23 = arith.addf %add3A_22, %add3A_15 : vector<10000x128xf32>
    %mul3A_24 = arith.constant 0.333333343 : f32
    %mul3A_25 = vector.broadcast %mul3A_24 : f32 to vector<10000x128xf32>
    %mul3A_26 = arith.mulf %add3A_23, %mul3A_25 : vector<10000x128xf32>
    %swap3A = arith.constant 0 : index
    %swap3A_27 = arith.constant 0 : index
    %swap3A_28 = vector.load %arg6[%swap3A, %swap3A_27] : memref<10000x128xf32, #tpu.memory_space<vmem>>, vector<10000x128xf32>
    tpu.vector_store %arg6[%swap3A, %swap3A_27], %mul3A_26 {strides = array<i32>} : memref<10000x128xf32, #tpu.memory_space<vmem>>, vector<10000x128xf32>,
    return
  }
}

</mosaic_0001>

<sc_bundles>
// kernel: kernel.11.cloned.1.call-start
scs
__scs_entry_jumppad:
0x0: {  	(pc) =	sbr.rel $0x88, $3  }
0x1: {  	(tag) =	ssettag $0x0;
	lr =	simm.s32 $0x1  }
0x2: {  	[smem:$0x3F98] =	sst lr;
	_ =	strace $0xD0000000  }
0x3: {  	_ = 	snop  }
0x4: {  	_ = 	snop  }
0x5: {  	_ = 	snop  }
0x6: {  	_ = 	snop  }
0x7: {  	_ = 	snop  }
__scs_overlays_trampoline_lowered:
0x8: {  	[smem:$0x3FA7] =	sst s0  }
0x9: {  	[smem:$0x3FA8] =	sst s1  }
0xa: {  	[smem:$0x3FA9] =	sst s2  }
0xb: {  	[smem:$0x3FAA] =	sst s3  }
0xc: {  	[smem:$0x3FAB] =	sst s4  }
0xd: {  	[smem:$0x3FAC] =	sst s5  }
0xe: {  	[smem:$0x3FAD] =	sst s6  }
0xf: {  	[smem:$0x3FAE] =	sst s7  }
0x10: {  	[smem:$0x3FAF] =	sst s8  }
0x11: {  	[smem:$0x3FB0] =	sst s9;
	s0 =	simm.s32 @!p0 $0x0  }
0x12: {  	s1 =	sld [smem:$0x3F96];
	s0 =	simm.s32 @p0 $0x1  }
0x13: {  	[smem:$0x3FB1] =	sst s0;
	s0 =	simm.s32 @!p1 $0x0  }
0x14: {  	s2 =	sld [smem:$0x3F95];
	s0 =	simm.s32 @p1 $0x1  }
0x15: {  	[smem:$0x3FB2] =	sst s0;
	s0 =	simm.s32 @!p2 $0x0  }
0x16: {  	s3 =	sld [smem:$0x3FDB];
	s0 =	simm.s32 @p2 $0x1  }
0x17: {  	s4 =	simm.s32 $0x1BF5;
	[smem:$0x3FB4] =	sst s0  }
0x18: {  	s0 =	sld [smem:$0x3F97];
	_ =	swait.ge [sflag:s4], $0x0  }
0x19: {  	s7 =	sld [smem:$0x3F98]  }
0x1a: {  	s8 =	sadd.s32 $0xFFFFE003, lr  }
0x1b: {  	s9 =	sadd.s32 $0xFFFFFEF7, lr;
	s5 =	simm.s32 $0xFFFFFFFF;
	p2 =	slt.u32 s8, $0xFFFFF086  }
0x1c: {  	p1 =	slt.u32 s9, $0xF7A;
	s5 =	simm.s32 @!p2 $0x0  }
0x1d: {  	s5 =	simm.s32 @p1 $0x1;
	p0 =	seq.s32 s7, s2  }
0x1e: {  	s7 =	smul.u32 @!p0 $0xF7A, s2;
	p2 =	seq.s32 @!p0 s5, $0x0  }
0x1f: {  	s9 =	smul.u32 $0xF7A, s1;
	s8 =	simm.s32 @!p0 $0x1BF5;
	p2 =	por !p2, p0  }
0x20: {  	[sflag:s8] =	ssyncset.s32 @!p0 $0xFFFFF086;
	s6 =	sadd.s32 @!p0 s3, s7;
	s7 =	simm.s32 @!p0 $0x108  }
0x21: {  	s3 =	sadd.s32 s3, s9;
	s6 =	sadd.s32 @!p0 $0x88, s6;
	s7 =	simm.s32 @p2 $0x1082  }
0x22: {  	[simem:s7], [sflag:s8] =	dma.local @!p0 [hbm:s6], $0xF7A  }
0x23: {  	s9 =	sor.u32 $0xD0000000, s2;
	s6 =	simm.s32 $0x108;
	_ =	swait.ge @!p0 [sflag:s8], $0x0  }
0x24: {  	s3 =	sadd.s32 $0x88, s3;
	s6 =	simm.s32 @!p1 $0x1082;
	[sflag:s4] =	ssyncset.s32 $0xFFFFF086  }
0x25: {  	[simem:s6], [sflag:s4] =	dma.local [hbm:s3], $0xF7A  }
0x26: {  	[smem:$0x3F98] =	sst s1;
	(tag) =	ssettag s2;
	_ =	strace s9  }
0x27: {  	s1 =	sld [smem:$0x3FA8]  }
0x28: {  	s2 =	sld [smem:$0x3FA9]  }
0x29: {  	s4 =	sld [smem:$0x3FAB]  }
0x2a: {  	p0 =	seq.s32 s5, $0x0;
	s5 =	sld [smem:$0x3FAC]  }
0x2b: {  	s6 =	sld [smem:$0x3FAD]  }
0x2c: {  	s7 =	sld [smem:$0x3FAE]  }
0x2d: {  	s3 =	simm.s32 $0x108;
	s8 =	sld [smem:$0x3FAF]  }
0x2e: {  	s3 =	simm.s32 @!p0 $0x1082;
	s9 =	sld [smem:$0x3FB0]  }
0x2f: {  	lr =	sadd.s32 s0, s3;
	s0 =	sld [smem:$0x3FA7]  }
0x30: {  	s3 =	sld [smem:$0x3FAA]  }
0x31: {  	[smem:$0x3FB3] =	sst s10  }
0x32: {  	s10 =	sld [smem:$0x3FB1];
	_ =	sdelay $0x3  }
0x33: {  	p0 =	seq.s32 s10, $0x1;
	s10 =	sld [smem:$0x3FB3];
	_ =	sdelay $0x3  }
0x34: {  	[smem:$0x3FB3] =	sst s10  }
0x35: {  	s10 =	sld [smem:$0x3FB2];
	_ =	sdelay $0x3  }
0x36: {  	p1 =	seq.s32 s10, $0x1;
	s10 =	sld [smem:$0x3FB3];
	_ =	sdelay $0x3  }
0x37: {  	[smem:$0x3FB3] =	sst s10  }
0x38: {  	s10 =	sld [smem:$0x3FB4]  }
0x39: {  	_ = 	snop;
	(pc) =	sbr.ind lr, $3  }
0x3a: {  	_ = 	snop  }
0x3b: {  	_ = 	snop  }
0x3c: {  	p2 =	seq.s32 s10, $0x1;
	s10 =	sld [smem:$0x3FB3]  }
0x3d: {  	_ =	shalt  }
0x3e: {  	_ =	shalt  }
0x3f: {  	_ =	shalt  }
0x40: {  	_ =	shalt  }
0x41: {  	_ =	shalt  }
0x42: {  	_ =	shalt  }
0x43: {  	_ =	shalt  }
0x44: {  	_ =	shalt  }
0x45: {  	_ =	shalt  }
0x46: {  	_ =	shalt  }
0x47: {  	_ =	shalt  }
0x48: {  	_ =	shalt  }
0x49: {  	_ =	shalt  }
0x4a: {  	_ =	shalt  }
0x4b: {  	_ =	shalt  }
0x4c: {  	_ =	shalt  }
0x4d: {  	_ =	shalt  }
0x4e: {  	_ =	shalt  }
0x4f: {  	_ =	shalt  }
0x50: {  	_ =	shalt  }
0x51: {  	_ =	shalt  }
0x52: {  	_ =	shalt  }
0x53: {  	_ =	shalt  }
0x54: {  	_ =	shalt  }
0x55: {  	_ =	shalt  }
0x56: {  	_ =	shalt  }
0x57: {  	_ =	shalt  }
0x58: {  	_ =	shalt  }
0x59: {  	_ =	shalt  }
0x5a: {  	_ =	shalt  }
0x5b: {  	_ =	shalt  }
0x5c: {  	_ =	shalt  }
0x5d: {  	_ =	shalt  }
0x5e: {  	_ =	shalt  }
0x5f: {  	_ =	shalt  }
0x60: {  	_ =	shalt  }
0x61: {  	_ =	shalt  }
0x62: {  	_ =	shalt  }
0x63: {  	_ =	shalt  }
0x64: {  	_ =	shalt  }
0x65: {  	_ =	shalt  }
0x66: {  	_ =	shalt  }
0x67: {  	_ =	shalt  }
0x68: {  	_ =	shalt  }
0x69: {  	_ =	shalt  }
0x6a: {  	_ =	shalt  }
0x6b: {  	_ =	shalt  }
0x6c: {  	_ =	shalt  }
0x6d: {  	_ =	shalt  }
0x6e: {  	_ =	shalt  }
0x6f: {  	_ =	shalt  }
0x70: {  	_ =	shalt  }
0x71: {  	_ =	shalt  }
0x72: {  	_ =	shalt  }
0x73: {  	_ =	shalt  }
0x74: {  	_ =	shalt  }
0x75: {  	_ =	shalt  }
0x76: {  	_ =	shalt  }
0x77: {  	_ =	shalt  }
0x78: {  	_ =	shalt  }
0x79: {  	_ =	shalt  }
0x7a: {  	_ =	shalt  }
0x7b: {  	_ =	shalt  }
0x7c: {  	_ =	shalt  }
0x7d: {  	_ =	shalt  }
0x7e: {  	_ =	shalt  }
0x7f: {  	_ =	shalt  }
0x80: {  	_ =	shalt  }
0x81: {  	_ =	shalt  }
0x82: {  	_ =	shalt  }
0x83: {  	_ =	shalt  }
0x84: {  	_ =	shalt  }
0x85: {  	_ =	shalt  }
0x86: {  	_ =	shalt  }
0x87: {  	_ =	shalt  }
.Lfunc_end0:
.L_simem_size_0:
called_computation.1_lowered:
.L_overlay_start_0:
0x88: {  	s2 =	sld [smem:$0x3FD9]  }
0x89: {  	s3 =	sld [smem:$0x3FFE];
	_ =	sdelay $0x1  }
0x8a: {  	s1 =	srdreg.scid  }
0x8b: {  	s0 =	sand.u32 $0x1, s1  }
0x8c: {  	s17 =	sshll.u32 s0, $0xA;
	s2 =	sadd.s32 s3, s2  }
0x8d: {  	s2 =	sadd.s32 s2, s17  }
0x8e: {  	[smem:$0x3FBF] =	sst s2  }
0x8f: {  	_ = 	snop  }
0x90: {  	s2 =	sld [smem:$0x3FC7]  }
0x91: {  	s18 =	sld [smem:$0x3FD0];
	(tm) =	ssettm $0x1  }
0x92: {  	s4 =	sld [smem:$0x3FFB];
	_ =	sdelay $0x3  }
0x93: {  	_ =	strace s4  }
0x94: {  	s4 =	sld [smem:$0x3FFC];
	_ =	sdelay $0x3  }
0x95: {  	_ =	strace s4  }
0x96: {  	s4 =	sld [smem:$0x3FFD];
	_ =	sdelay $0x3  }
0x97: {  	_ =	strace s4  }
0x98: {  	_ =	strace $0x8FFFFFFF  }
0x99: {  	s19 =	sld [smem:$0x3FDB];
	_ =	sdelay $0x1  }
0x9a: {  	s5 =	simm.s32 $_scs_section_size  }
0x9b: {  	s6 =	simm.s32 $_size__tile_overlayer_lowered;
	s7 =	simm.s32 $_tile_overlayer_lowered  }
0x9c: {  	s22 =	simm.s32 $0x1BFF;
	s21 =	sshll.u32 s7, $0x1;
	s4 =	sadd.s32 s5, s19  }
0x9d: {  	s8 =	simm.s32 $0x0;
	s20 =	sshll.u32 s6, $0x1;
	s6 =	sadd.s32 s21, s4  }
0x9e: {  	[timem:s8], [sflag:s22] =	dma.local [hbm:s6], s20  }
0x9f: {  	_ =	swait.ge [sflag:s22], s20  }
0xa0: {  	s5 =	ssub.s32 $0x0, s20;
	[sflag:s22] =	ssyncset.done $0x0  }
0xa1: {  	[sflag:s22] =	ssyncadd.s32 s5;
	_ =	sdelay $0x1  }
0xa2: {  	s23 =	simm.s32 $0x1B8B  }
0xa3: {  	_ =	swait.ge [sflag:s23], $0x1  }
0xa4: {  	[sflag:s23] =	ssyncset.done $0x0  }
0xa5: {  	s25 =	simm.s32 $0x1B8E;
	s24 =	sld [smem:$0x3FFE];
	[sflag:s23] =	ssyncadd.s32 $0xFFFFFFFF  }
0xa6: {  	s26 =	simm.s32 $execute0_lowered;
	[smem:$0x3FD2] =	sst s25  }
0xa7: {  	s6 =	sshll.u32 s26, $0x1;
	_ =	strace $0x80000049;
	[dreg:$0x1] =	wrdreg $0xFFFFFFFF  }
0xa8: {  	s28 =	simm.s32 $_size_execute0_lowered;
	s4 =	sadd.s32 s4, s6;
	[dreg:$0x0] =	wrdreg $0x0  }
0xa9: {  	s6 =	sshll.u32 s28, $0x1;
	[dreg:$0x2] =	wrdreg s4  }
0xaa: {  	[dreg:$0x3] =	wrdreg s6  }
0xab: {  	[dreg:$0x4] =	wrdreg $0xC0  }
0xac: {  	_ =	task [dreg:s8], $0x5FFFF  }
0xad: {  	[dreg:$0x1] =	wrdreg $0xFFFFFFFF  }
0xae: {  	[dreg:$0x0] =	wrdreg $0x60  }
0xaf: {  	[dreg:$0x2] =	wrdreg s24  }
0xb0: {  	[dreg:$0x3] =	wrdreg s2  }
0xb1: {  	[dreg:$0x4] =	wrdreg s18  }
0xb2: {  	[dreg:$0x5] =	wrdreg $0x13C600  }
0xb3: {  	[dreg:$0x6] =	wrdreg $0x9  }
0xb4: {  	_ =	task.clear_ibuf [dreg:s8], $0x7FFFF;
	_ =	strace $0x90000049  }
0xb5: {  	s29 =	simm.s32 $0x9;
	_ =	strace $0x8000004B  }
0xb6: {  	_ =	swait.ge [sflag:s29], $0x1  }
0xb7: {  	[sflag:s29] =	ssyncadd.s32 $0xFFFFFFFF  }
0xb8: {  	_ =	strace $0x9000004B  }
0xb9: {  	_ =	sfence  }
0xba: {  	s30 =	sld [smem:$0x0];
	_ =	sdelay $0x2  }
0xbb: {  	s31 =	sshll.u32 s1, $0xD;
	s1 =	sshrl.u32 s1, $0x2  }
0xbc: {  	s3 =	sand.u32 $0x4000, s31;
	s1 =	sadd.s32 s1, s30  }
0xbd: {  	s0 =	sor.u32 s3, s0;
	s1 =	sshll.u32 s1, $0x11  }
0xbe: {  	s0 =	sor.u32 s1, s0  }
0xbf: {  	s0 =	sadd.s32 $0x8F2B, s0  }
0xc0: {  	[sflag:s0] =	ssyncadd.remote.s32 $0x1  }
0xc1: {  	_ =	sfence.sel $0xFFFF  }
0xc2: {  	[dreg:$0x0] =	wrdreg $0xFFFFFFFF;
	(pc) =	sbr.abs _section_cstart, $3  }
0xc3: {  	[dreg:$0x1] =	wrdreg $0xFFFFFFFF  }
0xc4: {  	_ =	task.clear_ibuf [dreg:s8], $0x2FFFF;
	_ =	strace $0x9FFFFFFF  }
0xc5: {  	(tm) =	ssettm $0x7FFFFFFF  }
tec
execute0_lowered:
.L_overlay_start_1:
0x0: {  	(tag) =	ssettag $0x1  }
0x1: {  	s4 =	rddreg [dreg:$0x0]  }
0x2: {  	s10 =	rddreg [dreg:$0x1]  }
0x3: {  	s1 =	rddreg [dreg:$0x2]  }
0x4: {  	s7 =	rddreg [dreg:$0x3]  }
0x5: {  	s0 =	rddreg [dreg:$0x4]  }
0x6: {  	s2 =	simm.s32 $0x0;
	s3 =	stileid.u32;
	s5 =	srdreg.scid  }
0x7: {  	s17 =	simm.s32 $0x9C40;
	s18 =	simm.s32 $0x0;
	s11 =	smul.u32 $0x9C4, s3  }
0x8: {  	[smem:$0x7FF] =	sst s2;
	s12 =	sand.u32 $0x1, s5;
	s24 =	smul.u32 $0x27000, s3  }
0x9: {  	s13 =	smul.u32 $0x9C00, s3;
	s14 =	sadd.s32 $0x16000, s4;
	p0 =	sne.s32 s3, $0x0  }
0xa: {  	_ =	strace $0x8000004A;
	s6 =	ssub.s32 $0x2, s12;
	s16 =	smul.u32 $0x9C400, s12  }
0xb: {  	s30 =	sshll.u32 s12, $0x1;
	s9 =	sadd.s32 s11, s4;
	s25 =	sshrl.u32 s6, $0x1  }
0xc: {  	s5 =	sshrl.u32 s24, $0x2;
	s4 =	sadd.s32 s13, s7;
	s10 =	sadd.s32 s10, s11  }
0xd: {  	s15 =	ssub.s32 s6, s25;
	s26 =	sadd.s32 s5, s7;
	s7 =	sadd.s32 $0x9C000, s7  }
.Ltmp0:
0xe: {  	s8 =	sadd.s32 $0xC200, s9;
	s9 =	sadd.s32 $0x2400, s9;
	(pc) =	sbr.rel .LBB2_1-.Ltmp0, $4  }
0xf: {  	s28 =	sadd.s32 s13, s16;
	s29 =	sshrl.u32 s16, $0x3;
	s16 =	simm.s32 $0x4E20  }
0x10: {  	s5 =	sadd.s32 $0x3400, s26;
	s6 =	sadd.s32 $0x6800, s26;
	s11 =	sshrl.u32 s28, $0x3  }
0x11: {  	s31 =	sadd.s32 s14, s29;
	s13 =	smax.u32 s15, $0x1;
	s15 =	simm.s32 $0x4  }
0x12: {  	v1 =	vimm.f32 $0.0e+00;
	v0 =	vmov s30;
	s11 =	sadd.s32 s14, s11;
	s12 =	sadd.s32 $0x13800, s31;
	s14 =	simm.s32 $0x10860  }
.LBB2_12:
0x13: {  	s19 =	sshll.u32 s3, $0x6  }
0x14: {  	[bflag:$0x0] =	sbarrier.arrive $0xFFFF;
	s20 =	sshrl.u32 s4, $0x3;
	s19 =	sor.u32 $0x1C04, s19  }
0x15: {  	[hbm:s11], [sflag:s19] =	dma.local [spmem:s20], $0x1380  }
0x16: {  	_ =	swait.ge [sflag:s15], $0x1380  }
0x17: {  	s18 =	sadd.s32 $0x1, s18;
	[sflag:s15] =	ssyncset.done $0x0  }
0x18: {  	p1 =	sne.s32 s18, s13;
	s20 =	sshrl.u32 @!p0 s7, $0x3;
	[sflag:s15] =	ssyncadd.s32 $0xFFFFEC80  }
0x19: {  	[hbm:s12], [sflag:s19] =	dma.local @!p0 [spmem:s20], $0x80  }
.Ltmp1:
0x1a: {  	_ = 	snop;
	(pc) =	sbr.rel @!p1 .LBB2_13-.Ltmp1, $4  }
0x1b: {  	s19 =	simm.s32 @!p0 $0x4  }
0x1c: {  	_ =	swait.ge @!p0 [sflag:s19], $0x80  }
0x1d: {  	[sflag:s19] =	ssyncset.done @!p0 $0x0  }
0x1e: {  	[sflag:s19] =	ssyncadd.s32 @!p0 $0xFFFFFF80  }
.LBB2_1:
0x1f: {  	s19 =	sand.u32 $0xFF00, s2  }
0x20: {  	s20 =	sand.u32 $0x30, s2;
	s21 =	sshrl.u32 s19, $0x2  }
0x21: {  	s19 =	simm.s32 $0x40;
	s21 =	sor.u32 s20, s21;
	s20 =	simm.s32 $0x0  }
.LBB2_2:
0x22: {  	p1 =	sne.s32 s19, $0xCFC0  }
0x23: {  	[tilespmem:s21+$0x10860] =	vst v1;
	s20 =	sadd.s32 $0x10, s20;
	s21 =	smov.u32 s19;
	s19 =	sadd.s32 $0x40, s19  }
.Ltmp2:
0x24: {  	(pc) =	sbr.rel @p1 .LBB2_2-.Ltmp2, $4  }
0x25: {  	_ = 	snop  }
0x26: {  	s21 =	sand.u32 $0xFF00, s21  }
0x27: {  	s22 =	sand.u32 $0x30, s20;
	s21 =	sshrl.u32 s21, $0x2  }
0x28: {  	s21 =	sor.u32 s22, s21  }
0x29: {  	[tilespmem:s21+$0x10860] =	vst v1  }
0x2a: {  	[spmem:s4] =	stream.linear.scatter [tilespmem:s14], [sflag:$0x4], $0x3400, $0x38;
	[tilespmem:$0x1D8A0] =	vst v63  }
0x2b: {  	_ =	swait.ge [sflag:s15], $0x3400  }
0x2c: {  	[sflag:s15] =	ssyncset.done $0x0  }
0x2d: {  	[sflag:s15] =	ssyncadd.s32 $0xFFFFCC00  }
0x2e: {  	[spmem:s5] =	stream.linear.scatter [tilespmem:s14], [sflag:$0x4], $0x3400, $0x38;
	[tilespmem:$0x1D8A0] =	vst v63  }
0x2f: {  	_ =	swait.ge [sflag:s15], $0x3400  }
0x30: {  	[sflag:s15] =	ssyncset.done $0x0  }
0x31: {  	[sflag:s15] =	ssyncadd.s32 $0xFFFFCC00  }
0x32: {  	[spmem:s6] =	stream.linear.scatter [tilespmem:s14], [sflag:$0x4], $0x3400, $0x38;
	[tilespmem:$0x1D8A0] =	vst v63  }
0x33: {  	_ =	swait.ge [sflag:s15], $0x3400  }
0x34: {  	[sflag:s15] =	ssyncset.done $0x0  }
0x35: {  	s19 =	simm.s32 @!p0 $0x10860;
	[sflag:s15] =	ssyncadd.s32 $0xFFFFCC00  }
0x36: {  	[spmem:s7] =	stream.linear.scatter @!p0 [tilespmem:s19], [sflag:$0x4], $0x400, $0x38;
	[tilespmem:$0x1D8A0] =	vst v63  }
0x37: {  	s19 =	simm.s32 @!p0 $0x4  }
0x38: {  	_ =	swait.ge @!p0 [sflag:s19], $0x400  }
0x39: {  	[sflag:s19] =	ssyncset.done @!p0 $0x0  }
0x3a: {  	s31 =	simm.s32 $0x0;
	[sflag:s19] =	ssyncadd.s32 @!p0 $0xFFFFFC00  }
0x3b: {  	[tilespmem:s31], [sflag:$0x4] =	stream.linear.gather [hbm4b:s8+s31], $0x4E20, $0x38;
	[tilespmem:$0x1D8A0] =	vst v63  }
0x3c: {  	_ =	swait.ge [sflag:s15], $0x4E20  }
0x3d: {  	[sflag:s15] =	ssyncset.done $0x0  }
0x3e: {  	[sflag:s15] =	ssyncadd.s32 $0xFFFFB1E0  }
0x3f: {  	[tilespmem:s16], [sflag:$0x4] =	stream.linear.gather [hbm4b:s9+s31], $0x4E20, $0x38;
	[tilespmem:$0x1D8A0] =	vst v63  }
0x40: {  	_ =	swait.ge [sflag:s15], $0x4E20  }
0x41: {  	[sflag:s15] =	ssyncset.done $0x0  }
0x42: {  	[sflag:s15] =	ssyncadd.s32 $0xFFFFB1E0  }
0x43: {  	[tilespmem:s17], [sflag:$0x4] =	stream.linear.gather [hbm4b:s10+s31], $0x4E20, $0x38;
	[tilespmem:$0x1D8A0] =	vst v63  }
0x44: {  	_ =	swait.ge [sflag:s15], $0x4E20  }
0x45: {  	[sflag:s15] =	ssyncset.done $0x0  }
0x46: {  	s20 =	simm.s32 $0x40;
	s19 =	simm.s32 $0x0;
	[sflag:s15] =	ssyncadd.s32 $0xFFFFB1E0  }
.LBB2_4:
0x47: {  	p1 =	sne.s32 s20, $0x13840;
	v2 =	vld [tilespmem:s19+$0x0];
	_ =	sdelay $0x2  }
.Ltmp3:
0x48: {  	(pc) =	sbr.rel @p1 .LBB2_4-.Ltmp3, $4  }
0x49: {  	_ = 	snop  }
0x4a: {  	v2 =	vshll.u32 v2, $0x2  }
0x4b: {  	v2 =	vor.u32 v0, v2  }
0x4c: {  	[tilespmem:s19+$0x0] =	vst v2;
	s19 =	sshra.s32 s20, $0x2;
	s20 =	sadd.s32 $0x40, s20  }
0x4d: {  	v2 =	vld [tilespmem:s19+$0x0];
	_ =	sdelay $0x4  }
.Ltmp4:
0x4e: {  	v2 =	vshll.u32 v2, $0x2;
	(pc) =	sbr.rel .LBB2_6-.Ltmp4, $4  }
0x4f: {  	v2 =	vor.u32 v0, v2  }
0x50: {  	[tilespmem:s19+$0x0] =	vst v2  }
0x51: {  	[bflag:$0x0] =	sbarrier.arrive $0xFFFF  }
0x52: {  	s20 =	simm.s32 $0x4;
	s21 =	simm.s32 $0x0;
	s19 =	simm.s32 $0x0  }
.LBB2_10:
0x53: {  	s23 =	simm.s32 @p1 $0x3  }
0x54: {  	_ =	swait.ge @p1 [sflag:s23], $0xA00  }
0x55: {  	p2 =	sgt.s32 s22, $0xF7;
	[sflag:s23] =	ssyncset.done @p1 $0x0  }
0x56: {  	s22 =	simm.s32 @!p2 $0x50;
	[sflag:s23] =	ssyncadd.s32 @p1 $0xFFFFF600;
	s23 =	simm.s32 @!p2 $0xF460  }
0x57: {  	[tilespmem:s23], [sflag:$0x2] =	stream.indirect.gather @!p2 [hbm4b:s1+s22], $0x20, s21, s22, $0xb8;
	[tilespmem:$0x1D8A0] =	vst v63  }
.LBB2_11:
0x58: {  	s19 =	sadd.s32 $0x1, s19  }
0x59: {  	p1 =	sne.s32 s19, $0xFD  }
.Ltmp5:
0x5a: {  	_ = 	snop;
	(pc) =	sbr.rel @!p1 .LBB2_12-.Ltmp5, $2  }
0x5b: {  	_ =	sdelay $0x2  }
0x5c: {  	s21 =	sadd.s32 $0x50, s21;
	s20 =	sadd.s32 $0x1, s20  }
.LBB2_6:
0x5d: {  	s22 =	smulhi.u32 $0xAAAAAAAB, s20;
	_ =	sdelay $0x1  }
0x5e: {  	s22 =	sshrl.u32 s22, $0x1  }
0x5f: {  	s23 =	smul.u32 $0x3, s22;
	_ =	sdelay $0x1  }
0x60: {  	s22 =	sadd.s32 $0xFFFFFFFE, s19;
	s23 =	ssub.s32 s19, s23  }
0x61: {  	p2 =	sne.s32 s19, $0xFC;
	p1 =	sgt.s32 s22, $0xFFFFFFFF;
	s23 =	sadd.s32 $0x4, s23  }
0x62: {  	p1 =	por !p1, !p2;
	p2 =	seq.s32 s23, $0x2  }
.Ltmp6:
0x63: {  	_ = 	snop;
	(pc) =	sbr.rel @p2 .LBB2_10-.Ltmp6, $2  }
0x64: {  	_ =	sdelay $0x2  }
0x65: {  	p1 =	por !p1, !p1  }
0x66: {  	p2 =	seq.s32 s23, $0x1  }
.Ltmp7:
0x67: {  	_ = 	snop;
	(pc) =	sbr.rel @!p2 .LBB2_8-.Ltmp7, $1  }
0x68: {  	_ =	sdelay $0x3  }
.Ltmp8:
0x69: {  	s23 =	simm.s32 @p1 $0x2;
	(pc) =	sbr.rel .LBB2_11-.Ltmp8, $4  }
0x6a: {  	_ =	swait.ge @p1 [sflag:s23], $0xA00  }
0x6b: {  	p2 =	sgt.s32 s22, $0xF7;
	[sflag:s23] =	ssyncset.done @p1 $0x0  }
0x6c: {  	s22 =	simm.s32 @!p2 $0x50;
	[sflag:s23] =	ssyncadd.s32 @p1 $0xFFFFF600;
	s23 =	simm.s32 @!p2 $0xEA60  }
0x6d: {  	[tilespmem:s23], [sflag:$0x1] =	stream.indirect.gather @!p2 [hbm4b:s1+s22], $0x20, s21, s22, $0xb8;
	[tilespmem:$0x1D8A0] =	vst v63  }
.LBB2_8:
.Ltmp9:
0x6e: {  	s23 =	simm.s32 @p1 $0x1;
	(pc) =	sbr.rel .LBB2_11-.Ltmp9, $4  }
0x6f: {  	_ =	swait.ge @p1 [sflag:s23], $0xA00  }
0x70: {  	p2 =	sgt.s32 s22, $0xF7;
	[sflag:s23] =	ssyncset.done @p1 $0x0  }
0x71: {  	s22 =	simm.s32 @!p2 $0x50;
	[sflag:s23] =	ssyncadd.s32 @p1 $0xFFFFF600;
	s23 =	simm.s32 @!p2 $0xFE60  }
0x72: {  	[tilespmem:s23], [sflag:$0x3] =	stream.indirect.gather @!p2 [hbm4b:s1+s22], $0x20, s21, s22, $0xb8;
	[tilespmem:$0x1D8A0] =	vst v63  }
.LBB2_13:
0x73: {  	_ =	sfence.sel $0x180000  }
0x74: {  	[bflag:$0x0] =	sbarrier.arrive $0xFFFF  }
0x75: {  	_ =	strace $0x9000004A  }
0x76: {  	s0 =	sadd.s32 @!p0 $0x100000, s0;
	[bflag:$0x2] =	sbarrier.arrive $0xFFFF  }
0x77: {  	[sflag:s0] =	ssyncadd.tile.s32 @!p0 $0x1;
	_ =	shalt  }
.Lfunc_end2:
_tile_overlayer_lowered:
.L_overlay_start_2:
0x78: {  	(tag) =	ssettag $0x2  }
0x79: {  	s0 =	rddreg [dreg:$0x0];
	s2 =	stileid.u32  }
0x7a: {  	s1 =	rddreg [dreg:$0x1];
	p0 =	sne.s32 s2, $0x0  }
0x7b: {  	s3 =	rddreg [dreg:$0x2];
	[bflag:$0x3] =	sbarrier.arrive $0xFFFF;
	s2 =	simm.s32 @!p0 $0x1C04  }
0x7c: {  	[timem:s3], [sflag:s2] =	dma.local @!p0 [hbm:s0], s1  }
0x7d: {  	s0 =	simm.s32 @!p0 $0x4  }
0x7e: {  	_ =	swait.ge @!p0 [sflag:s0], s1  }
0x7f: {  	s1 =	ssub.s32 @!p0 $0x0, s1;
	[sflag:s0] =	ssyncset.done @!p0 $0x0  }
0x80: {  	[sflag:s0] =	ssyncadd.s32 @!p0 s1  }
0x81: {  	[bflag:$0x3] =	sbarrier.arrive $0xFFFF  }
0x82: {  	_ =	shalt  }

// kernel: kernel.14.cloned.1.call-start
scs
__scs_entry_jumppad:
0x0: {  	(pc) =	sbr.rel $0x88, $3  }
0x1: {  	(tag) =	ssettag $0x0;
	lr =	simm.s32 $0x1  }
0x2: {  	[smem:$0x3F98] =	sst lr;
	_ =	strace $0xD0000000  }
0x3: {  	_ = 	snop  }
0x4: {  	_ = 	snop  }
0x5: {  	_ = 	snop  }
0x6: {  	_ = 	snop  }
0x7: {  	_ = 	snop  }
__scs_overlays_trampoline_lowered:
0x8: {  	[smem:$0x3FA7] =	sst s0  }
0x9: {  	[smem:$0x3FA8] =	sst s1  }
0xa: {  	[smem:$0x3FA9] =	sst s2  }
0xb: {  	[smem:$0x3FAA] =	sst s3  }
0xc: {  	[smem:$0x3FAB] =	sst s4  }
0xd: {  	[smem:$0x3FAC] =	sst s5  }
0xe: {  	[smem:$0x3FAD] =	sst s6  }
0xf: {  	[smem:$0x3FAE] =	sst s7  }
0x10: {  	[smem:$0x3FAF] =	sst s8  }
0x11: {  	[smem:$0x3FB0] =	sst s9;
	s0 =	simm.s32 @!p0 $0x0  }
0x12: {  	s1 =	sld [smem:$0x3F96];
	s0 =	simm.s32 @p0 $0x1  }
0x13: {  	[smem:$0x3FB1] =	sst s0;
	s0 =	simm.s32 @!p1 $0x0  }
0x14: {  	s2 =	sld [smem:$0x3F95];
	s0 =	simm.s32 @p1 $0x1  }
0x15: {  	[smem:$0x3FB2] =	sst s0;
	s0 =	simm.s32 @!p2 $0x0  }
0x16: {  	s3 =	sld [smem:$0x3FDB];
	s0 =	simm.s32 @p2 $0x1  }
0x17: {  	s4 =	simm.s32 $0x1BF5;
	[smem:$0x3FB4] =	sst s0  }
0x18: {  	s0 =	sld [smem:$0x3F97];
	_ =	swait.ge [sflag:s4], $0x0  }
0x19: {  	s7 =	sld [smem:$0x3F98]  }
0x1a: {  	s8 =	sadd.s32 $0xFFFFE003, lr  }
0x1b: {  	s9 =	sadd.s32 $0xFFFFFEF7, lr;
	s5 =	simm.s32 $0xFFFFFFFF;
	p2 =	slt.u32 s8, $0xFFFFF086  }
0x1c: {  	p1 =	slt.u32 s9, $0xF7A;
	s5 =	simm.s32 @!p2 $0x0  }
0x1d: {  	s5 =	simm.s32 @p1 $0x1;
	p0 =	seq.s32 s7, s2  }
0x1e: {  	s7 =	smul.u32 @!p0 $0xF7A, s2;
	p2 =	seq.s32 @!p0 s5, $0x0  }
0x1f: {  	s9 =	smul.u32 $0xF7A, s1;
	s8 =	simm.s32 @!p0 $0x1BF5;
	p2 =	por !p2, p0  }
0x20: {  	[sflag:s8] =	ssyncset.s32 @!p0 $0xFFFFF086;
	s6 =	sadd.s32 @!p0 s3, s7;
	s7 =	simm.s32 @!p0 $0x108  }
0x21: {  	s3 =	sadd.s32 s3, s9;
	s6 =	sadd.s32 @!p0 $0x88, s6;
	s7 =	simm.s32 @p2 $0x1082  }
0x22: {  	[simem:s7], [sflag:s8] =	dma.local @!p0 [hbm:s6], $0xF7A  }
0x23: {  	s9 =	sor.u32 $0xD0000000, s2;
	s6 =	simm.s32 $0x108;
	_ =	swait.ge @!p0 [sflag:s8], $0x0  }
0x24: {  	s3 =	sadd.s32 $0x88, s3;
	s6 =	simm.s32 @!p1 $0x1082;
	[sflag:s4] =	ssyncset.s32 $0xFFFFF086  }
0x25: {  	[simem:s6], [sflag:s4] =	dma.local [hbm:s3], $0xF7A  }
0x26: {  	[smem:$0x3F98] =	sst s1;
	(tag) =	ssettag s2;
	_ =	strace s9  }
0x27: {  	s1 =	sld [smem:$0x3FA8]  }
0x28: {  	s2 =	sld [smem:$0x3FA9]  }
0x29: {  	s4 =	sld [smem:$0x3FAB]  }
0x2a: {  	p0 =	seq.s32 s5, $0x0;
	s5 =	sld [smem:$0x3FAC]  }
0x2b: {  	s6 =	sld [smem:$0x3FAD]  }
0x2c: {  	s7 =	sld [smem:$0x3FAE]  }
0x2d: {  	s3 =	simm.s32 $0x108;
	s8 =	sld [smem:$0x3FAF]  }
0x2e: {  	s3 =	simm.s32 @!p0 $0x1082;
	s9 =	sld [smem:$0x3FB0]  }
0x2f: {  	lr =	sadd.s32 s0, s3;
	s0 =	sld [smem:$0x3FA7]  }
0x30: {  	s3 =	sld [smem:$0x3FAA]  }
0x31: {  	[smem:$0x3FB3] =	sst s10  }
0x32: {  	s10 =	sld [smem:$0x3FB1];
	_ =	sdelay $0x3  }
0x33: {  	p0 =	seq.s32 s10, $0x1;
	s10 =	sld [smem:$0x3FB3];
	_ =	sdelay $0x3  }
0x34: {  	[smem:$0x3FB3] =	sst s10  }
0x35: {  	s10 =	sld [smem:$0x3FB2];
	_ =	sdelay $0x3  }
0x36: {  	p1 =	seq.s32 s10, $0x1;
	s10 =	sld [smem:$0x3FB3];
	_ =	sdelay $0x3  }
0x37: {  	[smem:$0x3FB3] =	sst s10  }
0x38: {  	s10 =	sld [smem:$0x3FB4]  }
0x39: {  	_ = 	snop;
	(pc) =	sbr.ind lr, $3  }
0x3a: {  	_ = 	snop  }
0x3b: {  	_ = 	snop  }
0x3c: {  	p2 =	seq.s32 s10, $0x1;
	s10 =	sld [smem:$0x3FB3]  }
0x3d: {  	_ =	shalt  }
0x3e: {  	_ =	shalt  }
0x3f: {  	_ =	shalt  }
0x40: {  	_ =	shalt  }
0x41: {  	_ =	shalt  }
0x42: {  	_ =	shalt  }
0x43: {  	_ =	shalt  }
0x44: {  	_ =	shalt  }
0x45: {  	_ =	shalt  }
0x46: {  	_ =	shalt  }
0x47: {  	_ =	shalt  }
0x48: {  	_ =	shalt  }
0x49: {  	_ =	shalt  }
0x4a: {  	_ =	shalt  }
0x4b: {  	_ =	shalt  }
0x4c: {  	_ =	shalt  }
0x4d: {  	_ =	shalt  }
0x4e: {  	_ =	shalt  }
0x4f: {  	_ =	shalt  }
0x50: {  	_ =	shalt  }
0x51: {  	_ =	shalt  }
0x52: {  	_ =	shalt  }
0x53: {  	_ =	shalt  }
0x54: {  	_ =	shalt  }
0x55: {  	_ =	shalt  }
0x56: {  	_ =	shalt  }
0x57: {  	_ =	shalt  }
0x58: {  	_ =	shalt  }
0x59: {  	_ =	shalt  }
0x5a: {  	_ =	shalt  }
0x5b: {  	_ =	shalt  }
0x5c: {  	_ =	shalt  }
0x5d: {  	_ =	shalt  }
0x5e: {  	_ =	shalt  }
0x5f: {  	_ =	shalt  }
0x60: {  	_ =	shalt  }
0x61: {  	_ =	shalt  }
0x62: {  	_ =	shalt  }
0x63: {  	_ =	shalt  }
0x64: {  	_ =	shalt  }
0x65: {  	_ =	shalt  }
0x66: {  	_ =	shalt  }
0x67: {  	_ =	shalt  }
0x68: {  	_ =	shalt  }
0x69: {  	_ =	shalt  }
0x6a: {  	_ =	shalt  }
0x6b: {  	_ =	shalt  }
0x6c: {  	_ =	shalt  }
0x6d: {  	_ =	shalt  }
0x6e: {  	_ =	shalt  }
0x6f: {  	_ =	shalt  }
0x70: {  	_ =	shalt  }
0x71: {  	_ =	shalt  }
0x72: {  	_ =	shalt  }
0x73: {  	_ =	shalt  }
0x74: {  	_ =	shalt  }
0x75: {  	_ =	shalt  }
0x76: {  	_ =	shalt  }
0x77: {  	_ =	shalt  }
0x78: {  	_ =	shalt  }
0x79: {  	_ =	shalt  }
0x7a: {  	_ =	shalt  }
0x7b: {  	_ =	shalt  }
0x7c: {  	_ =	shalt  }
0x7d: {  	_ =	shalt  }
0x7e: {  	_ =	shalt  }
0x7f: {  	_ =	shalt  }
0x80: {  	_ =	shalt  }
0x81: {  	_ =	shalt  }
0x82: {  	_ =	shalt  }
0x83: {  	_ =	shalt  }
0x84: {  	_ =	shalt  }
0x85: {  	_ =	shalt  }
0x86: {  	_ =	shalt  }
0x87: {  	_ =	shalt  }
.Lfunc_end0:
.L_simem_size_0:
called_computation.2_lowered:
.L_overlay_start_0:
0x88: {  	s2 =	sld [smem:$0x3FD9]  }
0x89: {  	s3 =	sld [smem:$0x3FFE];
	_ =	sdelay $0x1  }
0x8a: {  	s1 =	srdreg.scid  }
0x8b: {  	s0 =	sand.u32 $0x1, s1  }
0x8c: {  	s17 =	sshll.u32 s0, $0xA;
	s2 =	sadd.s32 s3, s2  }
0x8d: {  	s2 =	sadd.s32 s2, s17  }
0x8e: {  	[smem:$0x3FBF] =	sst s2  }
0x8f: {  	_ = 	snop  }
0x90: {  	s2 =	sld [smem:$0x3FC7]  }
0x91: {  	s18 =	sld [smem:$0x3FD0];
	(tm) =	ssettm $0x1  }
0x92: {  	s4 =	sld [smem:$0x3FFB];
	_ =	sdelay $0x3  }
0x93: {  	_ =	strace s4  }
0x94: {  	s4 =	sld [smem:$0x3FFC];
	_ =	sdelay $0x3  }
0x95: {  	_ =	strace s4  }
0x96: {  	s4 =	sld [smem:$0x3FFD];
	_ =	sdelay $0x3  }
0x97: {  	_ =	strace s4  }
0x98: {  	_ =	strace $0x8FFFFFFF  }
0x99: {  	s19 =	sld [smem:$0x3FDB];
	_ =	sdelay $0x1  }
0x9a: {  	s5 =	simm.s32 $_scs_section_size  }
0x9b: {  	s6 =	simm.s32 $_size__tile_overlayer_lowered;
	s7 =	simm.s32 $_tile_overlayer_lowered  }
0x9c: {  	s22 =	simm.s32 $0x1BFF;
	s21 =	sshll.u32 s7, $0x1;
	s4 =	sadd.s32 s5, s19  }
0x9d: {  	s8 =	simm.s32 $0x0;
	s20 =	sshll.u32 s6, $0x1;
	s6 =	sadd.s32 s21, s4  }
0x9e: {  	[timem:s8], [sflag:s22] =	dma.local [hbm:s6], s20  }
0x9f: {  	_ =	swait.ge [sflag:s22], s20  }
0xa0: {  	s5 =	ssub.s32 $0x0, s20;
	[sflag:s22] =	ssyncset.done $0x0  }
0xa1: {  	[sflag:s22] =	ssyncadd.s32 s5;
	_ =	sdelay $0x1  }
0xa2: {  	s23 =	simm.s32 $0x1B8B  }
0xa3: {  	_ =	swait.ge [sflag:s23], $0x1  }
0xa4: {  	[sflag:s23] =	ssyncset.done $0x0  }
0xa5: {  	s25 =	simm.s32 $0x1B8E;
	s24 =	sld [smem:$0x3FFE];
	[sflag:s23] =	ssyncadd.s32 $0xFFFFFFFF  }
0xa6: {  	s26 =	simm.s32 $execute0_lowered;
	[smem:$0x3FD2] =	sst s25  }
0xa7: {  	s6 =	sshll.u32 s26, $0x1;
	_ =	strace $0x8000004C;
	[dreg:$0x1] =	wrdreg $0xFFFFFFFF  }
0xa8: {  	s28 =	simm.s32 $_size_execute0_lowered;
	s4 =	sadd.s32 s4, s6;
	[dreg:$0x0] =	wrdreg $0x0  }
0xa9: {  	s6 =	sshll.u32 s28, $0x1;
	[dreg:$0x2] =	wrdreg s4  }
0xaa: {  	[dreg:$0x3] =	wrdreg s6  }
0xab: {  	[dreg:$0x4] =	wrdreg $0xC0  }
0xac: {  	_ =	task [dreg:s8], $0x5FFFF  }
0xad: {  	[dreg:$0x1] =	wrdreg $0xFFFFFFFF  }
0xae: {  	[dreg:$0x0] =	wrdreg $0x60  }
0xaf: {  	[dreg:$0x2] =	wrdreg s24  }
0xb0: {  	[dreg:$0x3] =	wrdreg s2  }
0xb1: {  	[dreg:$0x4] =	wrdreg s18  }
0xb2: {  	[dreg:$0x5] =	wrdreg $0x13C600  }
0xb3: {  	[dreg:$0x6] =	wrdreg $0x9  }
0xb4: {  	_ =	task.clear_ibuf [dreg:s8], $0x7FFFF;
	_ =	strace $0x9000004C  }
0xb5: {  	s29 =	simm.s32 $0x9;
	_ =	strace $0x8000004E  }
0xb6: {  	_ =	swait.ge [sflag:s29], $0x1  }
0xb7: {  	[sflag:s29] =	ssyncadd.s32 $0xFFFFFFFF  }
0xb8: {  	_ =	strace $0x9000004E  }
0xb9: {  	_ =	sfence  }
0xba: {  	s30 =	sld [smem:$0x0];
	_ =	sdelay $0x2  }
0xbb: {  	s31 =	sshll.u32 s1, $0xD;
	s1 =	sshrl.u32 s1, $0x2  }
0xbc: {  	s3 =	sand.u32 $0x4000, s31;
	s1 =	sadd.s32 s1, s30  }
0xbd: {  	s0 =	sor.u32 s3, s0;
	s1 =	sshll.u32 s1, $0x11  }
0xbe: {  	s0 =	sor.u32 s1, s0  }
0xbf: {  	s0 =	sadd.s32 $0x8F2B, s0  }
0xc0: {  	[sflag:s0] =	ssyncadd.remote.s32 $0x1  }
0xc1: {  	_ =	sfence.sel $0xFFFF  }
0xc2: {  	[dreg:$0x0] =	wrdreg $0xFFFFFFFF;
	(pc) =	sbr.abs _section_cstart, $3  }
0xc3: {  	[dreg:$0x1] =	wrdreg $0xFFFFFFFF  }
0xc4: {  	_ =	task.clear_ibuf [dreg:s8], $0x2FFFF;
	_ =	strace $0x9FFFFFFF  }
0xc5: {  	(tm) =	ssettm $0x7FFFFFFF  }
tec
execute0_lowered:
.L_overlay_start_1:
0x0: {  	(tag) =	ssettag $0x1  }
0x1: {  	s4 =	rddreg [dreg:$0x0]  }
0x2: {  	s10 =	rddreg [dreg:$0x1]  }
0x3: {  	s1 =	rddreg [dreg:$0x2]  }
0x4: {  	s7 =	rddreg [dreg:$0x3]  }
0x5: {  	s0 =	rddreg [dreg:$0x4]  }
0x6: {  	s2 =	simm.s32 $0x0;
	s3 =	stileid.u32;
	s5 =	srdreg.scid  }
0x7: {  	s17 =	simm.s32 $0x9C40;
	s18 =	simm.s32 $0x0;
	s11 =	smul.u32 $0x9C4, s3  }
0x8: {  	[smem:$0x7FF] =	sst s2;
	s12 =	sand.u32 $0x1, s5;
	s24 =	smul.u32 $0x27000, s3  }
0x9: {  	s13 =	smul.u32 $0x9C00, s3;
	s14 =	sadd.s32 $0x16000, s4;
	p0 =	sne.s32 s3, $0x0  }
0xa: {  	_ =	strace $0x8000004D;
	s6 =	ssub.s32 $0x2, s12;
	s16 =	smul.u32 $0x9C400, s12  }
0xb: {  	s30 =	sshll.u32 s12, $0x1;
	s9 =	sadd.s32 s11, s4;
	s25 =	sshrl.u32 s6, $0x1  }
0xc: {  	s5 =	sshrl.u32 s24, $0x2;
	s4 =	sadd.s32 s13, s7;
	s10 =	sadd.s32 s10, s11  }
0xd: {  	s15 =	ssub.s32 s6, s25;
	s26 =	sadd.s32 s5, s7;
	s7 =	sadd.s32 $0x9C000, s7  }
.Ltmp0:
0xe: {  	s8 =	sadd.s32 $0xC200, s9;
	s9 =	sadd.s32 $0x2400, s9;
	(pc) =	sbr.rel .LBB2_1-.Ltmp0, $4  }
0xf: {  	s28 =	sadd.s32 s13, s16;
	s29 =	sshrl.u32 s16, $0x3;
	s16 =	simm.s32 $0x4E20  }
0x10: {  	s5 =	sadd.s32 $0x3400, s26;
	s6 =	sadd.s32 $0x6800, s26;
	s11 =	sshrl.u32 s28, $0x3  }
0x11: {  	s31 =	sadd.s32 s14, s29;
	s13 =	smax.u32 s15, $0x1;
	s15 =	simm.s32 $0x4  }
0x12: {  	v1 =	vimm.f32 $0.0e+00;
	v0 =	vmov s30;
	s11 =	sadd.s32 s14, s11;
	s12 =	sadd.s32 $0x13800, s31;
	s14 =	simm.s32 $0x10860  }
.LBB2_12:
0x13: {  	s19 =	sshll.u32 s3, $0x6  }
0x14: {  	[bflag:$0x0] =	sbarrier.arrive $0xFFFF;
	s20 =	sshrl.u32 s4, $0x3;
	s19 =	sor.u32 $0x1C04, s19  }
0x15: {  	[hbm:s11], [sflag:s19] =	dma.local [spmem:s20], $0x1380  }
0x16: {  	_ =	swait.ge [sflag:s15], $0x1380  }
0x17: {  	s18 =	sadd.s32 $0x1, s18;
	[sflag:s15] =	ssyncset.done $0x0  }
0x18: {  	p1 =	sne.s32 s18, s13;
	s20 =	sshrl.u32 @!p0 s7, $0x3;
	[sflag:s15] =	ssyncadd.s32 $0xFFFFEC80  }
0x19: {  	[hbm:s12], [sflag:s19] =	dma.local @!p0 [spmem:s20], $0x80  }
.Ltmp1:
0x1a: {  	_ = 	snop;
	(pc) =	sbr.rel @!p1 .LBB2_13-.Ltmp1, $4  }
0x1b: {  	s19 =	simm.s32 @!p0 $0x4  }
0x1c: {  	_ =	swait.ge @!p0 [sflag:s19], $0x80  }
0x1d: {  	[sflag:s19] =	ssyncset.done @!p0 $0x0  }
0x1e: {  	[sflag:s19] =	ssyncadd.s32 @!p0 $0xFFFFFF80  }
.LBB2_1:
0x1f: {  	s19 =	sand.u32 $0xFF00, s2  }
0x20: {  	s20 =	sand.u32 $0x30, s2;
	s21 =	sshrl.u32 s19, $0x2  }
0x21: {  	s19 =	simm.s32 $0x40;
	s21 =	sor.u32 s20, s21;
	s20 =	simm.s32 $0x0  }
.LBB2_2:
0x22: {  	p1 =	sne.s32 s19, $0xCFC0  }
0x23: {  	[tilespmem:s21+$0x10860] =	vst v1;
	s20 =	sadd.s32 $0x10, s20;
	s21 =	smov.u32 s19;
	s19 =	sadd.s32 $0x40, s19  }
.Ltmp2:
0x24: {  	(pc) =	sbr.rel @p1 .LBB2_2-.Ltmp2, $4  }
0x25: {  	_ = 	snop  }
0x26: {  	s21 =	sand.u32 $0xFF00, s21  }
0x27: {  	s22 =	sand.u32 $0x30, s20;
	s21 =	sshrl.u32 s21, $0x2  }
0x28: {  	s21 =	sor.u32 s22, s21  }
0x29: {  	[tilespmem:s21+$0x10860] =	vst v1  }
0x2a: {  	[spmem:s4] =	stream.linear.scatter [tilespmem:s14], [sflag:$0x4], $0x3400, $0x38;
	[tilespmem:$0x1D8A0] =	vst v63  }
0x2b: {  	_ =	swait.ge [sflag:s15], $0x3400  }
0x2c: {  	[sflag:s15] =	ssyncset.done $0x0  }
0x2d: {  	[sflag:s15] =	ssyncadd.s32 $0xFFFFCC00  }
0x2e: {  	[spmem:s5] =	stream.linear.scatter [tilespmem:s14], [sflag:$0x4], $0x3400, $0x38;
	[tilespmem:$0x1D8A0] =	vst v63  }
0x2f: {  	_ =	swait.ge [sflag:s15], $0x3400  }
0x30: {  	[sflag:s15] =	ssyncset.done $0x0  }
0x31: {  	[sflag:s15] =	ssyncadd.s32 $0xFFFFCC00  }
0x32: {  	[spmem:s6] =	stream.linear.scatter [tilespmem:s14], [sflag:$0x4], $0x3400, $0x38;
	[tilespmem:$0x1D8A0] =	vst v63  }
0x33: {  	_ =	swait.ge [sflag:s15], $0x3400  }
0x34: {  	[sflag:s15] =	ssyncset.done $0x0  }
0x35: {  	s19 =	simm.s32 @!p0 $0x10860;
	[sflag:s15] =	ssyncadd.s32 $0xFFFFCC00  }
0x36: {  	[spmem:s7] =	stream.linear.scatter @!p0 [tilespmem:s19], [sflag:$0x4], $0x400, $0x38;
	[tilespmem:$0x1D8A0] =	vst v63  }
0x37: {  	s19 =	simm.s32 @!p0 $0x4  }
0x38: {  	_ =	swait.ge @!p0 [sflag:s19], $0x400  }
0x39: {  	[sflag:s19] =	ssyncset.done @!p0 $0x0  }
0x3a: {  	s31 =	simm.s32 $0x0;
	[sflag:s19] =	ssyncadd.s32 @!p0 $0xFFFFFC00  }
0x3b: {  	[tilespmem:s31], [sflag:$0x4] =	stream.linear.gather [hbm4b:s8+s31], $0x4E20, $0x38;
	[tilespmem:$0x1D8A0] =	vst v63  }
0x3c: {  	_ =	swait.ge [sflag:s15], $0x4E20  }
0x3d: {  	[sflag:s15] =	ssyncset.done $0x0  }
0x3e: {  	[sflag:s15] =	ssyncadd.s32 $0xFFFFB1E0  }
0x3f: {  	[tilespmem:s16], [sflag:$0x4] =	stream.linear.gather [hbm4b:s9+s31], $0x4E20, $0x38;
	[tilespmem:$0x1D8A0] =	vst v63  }
0x40: {  	_ =	swait.ge [sflag:s15], $0x4E20  }
0x41: {  	[sflag:s15] =	ssyncset.done $0x0  }
0x42: {  	[sflag:s15] =	ssyncadd.s32 $0xFFFFB1E0  }
0x43: {  	[tilespmem:s17], [sflag:$0x4] =	stream.linear.gather [hbm4b:s10+s31], $0x4E20, $0x38;
	[tilespmem:$0x1D8A0] =	vst v63  }
0x44: {  	_ =	swait.ge [sflag:s15], $0x4E20  }
0x45: {  	[sflag:s15] =	ssyncset.done $0x0  }
0x46: {  	s20 =	simm.s32 $0x40;
	s19 =	simm.s32 $0x0;
	[sflag:s15] =	ssyncadd.s32 $0xFFFFB1E0  }
.LBB2_4:
0x47: {  	p1 =	sne.s32 s20, $0x13840;
	v2 =	vld [tilespmem:s19+$0x0];
	_ =	sdelay $0x2  }
.Ltmp3:
0x48: {  	(pc) =	sbr.rel @p1 .LBB2_4-.Ltmp3, $4  }
0x49: {  	_ = 	snop  }
0x4a: {  	v2 =	vshll.u32 v2, $0x2  }
0x4b: {  	v2 =	vor.u32 v0, v2  }
0x4c: {  	[tilespmem:s19+$0x0] =	vst v2;
	s19 =	sshra.s32 s20, $0x2;
	s20 =	sadd.s32 $0x40, s20  }
0x4d: {  	v2 =	vld [tilespmem:s19+$0x0];
	_ =	sdelay $0x4  }
.Ltmp4:
0x4e: {  	v2 =	vshll.u32 v2, $0x2;
	(pc) =	sbr.rel .LBB2_6-.Ltmp4, $4  }
0x4f: {  	v2 =	vor.u32 v0, v2  }
0x50: {  	[tilespmem:s19+$0x0] =	vst v2  }
0x51: {  	[bflag:$0x0] =	sbarrier.arrive $0xFFFF  }
0x52: {  	s20 =	simm.s32 $0x4;
	s21 =	simm.s32 $0x0;
	s19 =	simm.s32 $0x0  }
.LBB2_10:
0x53: {  	s23 =	simm.s32 @p1 $0x3  }
0x54: {  	_ =	swait.ge @p1 [sflag:s23], $0xA00  }
0x55: {  	p2 =	sgt.s32 s22, $0xF7;
	[sflag:s23] =	ssyncset.done @p1 $0x0  }
0x56: {  	s22 =	simm.s32 @!p2 $0x50;
	[sflag:s23] =	ssyncadd.s32 @p1 $0xFFFFF600;
	s23 =	simm.s32 @!p2 $0xF460  }
0x57: {  	[tilespmem:s23], [sflag:$0x2] =	stream.indirect.gather @!p2 [hbm4b:s1+s22], $0x20, s21, s22, $0xb8;
	[tilespmem:$0x1D8A0] =	vst v63  }
.LBB2_11:
0x58: {  	s19 =	sadd.s32 $0x1, s19  }
0x59: {  	p1 =	sne.s32 s19, $0xFD  }
.Ltmp5:
0x5a: {  	_ = 	snop;
	(pc) =	sbr.rel @!p1 .LBB2_12-.Ltmp5, $2  }
0x5b: {  	_ =	sdelay $0x2  }
0x5c: {  	s21 =	sadd.s32 $0x50, s21;
	s20 =	sadd.s32 $0x1, s20  }
.LBB2_6:
0x5d: {  	s22 =	smulhi.u32 $0xAAAAAAAB, s20;
	_ =	sdelay $0x1  }
0x5e: {  	s22 =	sshrl.u32 s22, $0x1  }
0x5f: {  	s23 =	smul.u32 $0x3, s22;
	_ =	sdelay $0x1  }
0x60: {  	s22 =	sadd.s32 $0xFFFFFFFE, s19;
	s23 =	ssub.s32 s19, s23  }
0x61: {  	p2 =	sne.s32 s19, $0xFC;
	p1 =	sgt.s32 s22, $0xFFFFFFFF;
	s23 =	sadd.s32 $0x4, s23  }
0x62: {  	p1 =	por !p1, !p2;
	p2 =	seq.s32 s23, $0x2  }
.Ltmp6:
0x63: {  	_ = 	snop;
	(pc) =	sbr.rel @p2 .LBB2_10-.Ltmp6, $2  }
0x64: {  	_ =	sdelay $0x2  }
0x65: {  	p1 =	por !p1, !p1  }
0x66: {  	p2 =	seq.s32 s23, $0x1  }
.Ltmp7:
0x67: {  	_ = 	snop;
	(pc) =	sbr.rel @!p2 .LBB2_8-.Ltmp7, $1  }
0x68: {  	_ =	sdelay $0x3  }
.Ltmp8:
0x69: {  	s23 =	simm.s32 @p1 $0x2;
	(pc) =	sbr.rel .LBB2_11-.Ltmp8, $4  }
0x6a: {  	_ =	swait.ge @p1 [sflag:s23], $0xA00  }
0x6b: {  	p2 =	sgt.s32 s22, $0xF7;
	[sflag:s23] =	ssyncset.done @p1 $0x0  }
0x6c: {  	s22 =	simm.s32 @!p2 $0x50;
	[sflag:s23] =	ssyncadd.s32 @p1 $0xFFFFF600;
	s23 =	simm.s32 @!p2 $0xEA60  }
0x6d: {  	[tilespmem:s23], [sflag:$0x1] =	stream.indirect.gather @!p2 [hbm4b:s1+s22], $0x20, s21, s22, $0xb8;
	[tilespmem:$0x1D8A0] =	vst v63  }
.LBB2_8:
.Ltmp9:
0x6e: {  	s23 =	simm.s32 @p1 $0x1;
	(pc) =	sbr.rel .LBB2_11-.Ltmp9, $4  }
0x6f: {  	_ =	swait.ge @p1 [sflag:s23], $0xA00  }
0x70: {  	p2 =	sgt.s32 s22, $0xF7;
	[sflag:s23] =	ssyncset.done @p1 $0x0  }
0x71: {  	s22 =	simm.s32 @!p2 $0x50;
	[sflag:s23] =	ssyncadd.s32 @p1 $0xFFFFF600;
	s23 =	simm.s32 @!p2 $0xFE60  }
0x72: {  	[tilespmem:s23], [sflag:$0x3] =	stream.indirect.gather @!p2 [hbm4b:s1+s22], $0x20, s21, s22, $0xb8;
	[tilespmem:$0x1D8A0] =	vst v63  }
.LBB2_13:
0x73: {  	_ =	sfence.sel $0x180000  }
0x74: {  	[bflag:$0x0] =	sbarrier.arrive $0xFFFF  }
0x75: {  	_ =	strace $0x9000004D  }
0x76: {  	s0 =	sadd.s32 @!p0 $0x100000, s0;
	[bflag:$0x2] =	sbarrier.arrive $0xFFFF  }
0x77: {  	[sflag:s0] =	ssyncadd.tile.s32 @!p0 $0x1;
	_ =	shalt  }
.Lfunc_end2:
_tile_overlayer_lowered:
.L_overlay_start_2:
0x78: {  	(tag) =	ssettag $0x2  }
0x79: {  	s0 =	rddreg [dreg:$0x0];
	s2 =	stileid.u32  }
0x7a: {  	s1 =	rddreg [dreg:$0x1];
	p0 =	sne.s32 s2, $0x0  }
0x7b: {  	s3 =	rddreg [dreg:$0x2];
	[bflag:$0x3] =	sbarrier.arrive $0xFFFF;
	s2 =	simm.s32 @!p0 $0x1C04  }
0x7c: {  	[timem:s3], [sflag:s2] =	dma.local @!p0 [hbm:s0], s1  }
0x7d: {  	s0 =	simm.s32 @!p0 $0x4  }
0x7e: {  	_ =	swait.ge @!p0 [sflag:s0], s1  }
0x7f: {  	s1 =	ssub.s32 @!p0 $0x0, s1;
	[sflag:s0] =	ssyncset.done @!p0 $0x0  }
0x80: {  	[sflag:s0] =	ssyncadd.s32 @!p0 s1  }
0x81: {  	[bflag:$0x3] =	sbarrier.arrive $0xFFFF  }
0x82: {  	_ =	shalt  }

// kernel: kernel.8.cloned.1.call-start
scs
__scs_entry_jumppad:
0x0: {  	(pc) =	sbr.rel $0x88, $3  }
0x1: {  	(tag) =	ssettag $0x0;
	lr =	simm.s32 $0x1  }
0x2: {  	[smem:$0x3F98] =	sst lr;
	_ =	strace $0xD0000000  }
0x3: {  	_ = 	snop  }
0x4: {  	_ = 	snop  }
0x5: {  	_ = 	snop  }
0x6: {  	_ = 	snop  }
0x7: {  	_ = 	snop  }
__scs_overlays_trampoline_lowered:
0x8: {  	[smem:$0x3FA7] =	sst s0  }
0x9: {  	[smem:$0x3FA8] =	sst s1  }
0xa: {  	[smem:$0x3FA9] =	sst s2  }
0xb: {  	[smem:$0x3FAA] =	sst s3  }
0xc: {  	[smem:$0x3FAB] =	sst s4  }
0xd: {  	[smem:$0x3FAC] =	sst s5  }
0xe: {  	[smem:$0x3FAD] =	sst s6  }
0xf: {  	[smem:$0x3FAE] =	sst s7  }
0x10: {  	[smem:$0x3FAF] =	sst s8  }
0x11: {  	[smem:$0x3FB0] =	sst s9;
	s0 =	simm.s32 @!p0 $0x0  }
0x12: {  	s1 =	sld [smem:$0x3F96];
	s0 =	simm.s32 @p0 $0x1  }
0x13: {  	[smem:$0x3FB1] =	sst s0;
	s0 =	simm.s32 @!p1 $0x0  }
0x14: {  	s2 =	sld [smem:$0x3F95];
	s0 =	simm.s32 @p1 $0x1  }
0x15: {  	[smem:$0x3FB2] =	sst s0;
	s0 =	simm.s32 @!p2 $0x0  }
0x16: {  	s3 =	sld [smem:$0x3FDB];
	s0 =	simm.s32 @p2 $0x1  }
0x17: {  	s4 =	simm.s32 $0x1BF5;
	[smem:$0x3FB4] =	sst s0  }
0x18: {  	s0 =	sld [smem:$0x3F97];
	_ =	swait.ge [sflag:s4], $0x0  }
0x19: {  	s7 =	sld [smem:$0x3F98]  }
0x1a: {  	s8 =	sadd.s32 $0xFFFFE003, lr  }
0x1b: {  	s9 =	sadd.s32 $0xFFFFFEF7, lr;
	s5 =	simm.s32 $0xFFFFFFFF;
	p2 =	slt.u32 s8, $0xFFFFF086  }
0x1c: {  	p1 =	slt.u32 s9, $0xF7A;
	s5 =	simm.s32 @!p2 $0x0  }
0x1d: {  	s5 =	simm.s32 @p1 $0x1;
	p0 =	seq.s32 s7, s2  }
0x1e: {  	s7 =	smul.u32 @!p0 $0xF7A, s2;
	p2 =	seq.s32 @!p0 s5, $0x0  }
0x1f: {  	s9 =	smul.u32 $0xF7A, s1;
	s8 =	simm.s32 @!p0 $0x1BF5;
	p2 =	por !p2, p0  }
0x20: {  	[sflag:s8] =	ssyncset.s32 @!p0 $0xFFFFF086;
	s6 =	sadd.s32 @!p0 s3, s7;
	s7 =	simm.s32 @!p0 $0x108  }
0x21: {  	s3 =	sadd.s32 s3, s9;
	s6 =	sadd.s32 @!p0 $0x88, s6;
	s7 =	simm.s32 @p2 $0x1082  }
0x22: {  	[simem:s7], [sflag:s8] =	dma.local @!p0 [hbm:s6], $0xF7A  }
0x23: {  	s9 =	sor.u32 $0xD0000000, s2;
	s6 =	simm.s32 $0x108;
	_ =	swait.ge @!p0 [sflag:s8], $0x0  }
0x24: {  	s3 =	sadd.s32 $0x88, s3;
	s6 =	simm.s32 @!p1 $0x1082;
	[sflag:s4] =	ssyncset.s32 $0xFFFFF086  }
0x25: {  	[simem:s6], [sflag:s4] =	dma.local [hbm:s3], $0xF7A  }
0x26: {  	[smem:$0x3F98] =	sst s1;
	(tag) =	ssettag s2;
	_ =	strace s9  }
0x27: {  	s1 =	sld [smem:$0x3FA8]  }
0x28: {  	s2 =	sld [smem:$0x3FA9]  }
0x29: {  	s4 =	sld [smem:$0x3FAB]  }
0x2a: {  	p0 =	seq.s32 s5, $0x0;
	s5 =	sld [smem:$0x3FAC]  }
0x2b: {  	s6 =	sld [smem:$0x3FAD]  }
0x2c: {  	s7 =	sld [smem:$0x3FAE]  }
0x2d: {  	s3 =	simm.s32 $0x108;
	s8 =	sld [smem:$0x3FAF]  }
0x2e: {  	s3 =	simm.s32 @!p0 $0x1082;
	s9 =	sld [smem:$0x3FB0]  }
0x2f: {  	lr =	sadd.s32 s0, s3;
	s0 =	sld [smem:$0x3FA7]  }
0x30: {  	s3 =	sld [smem:$0x3FAA]  }
0x31: {  	[smem:$0x3FB3] =	sst s10  }
0x32: {  	s10 =	sld [smem:$0x3FB1];
	_ =	sdelay $0x3  }
0x33: {  	p0 =	seq.s32 s10, $0x1;
	s10 =	sld [smem:$0x3FB3];
	_ =	sdelay $0x3  }
0x34: {  	[smem:$0x3FB3] =	sst s10  }
0x35: {  	s10 =	sld [smem:$0x3FB2];
	_ =	sdelay $0x3  }
0x36: {  	p1 =	seq.s32 s10, $0x1;
	s10 =	sld [smem:$0x3FB3];
	_ =	sdelay $0x3  }
0x37: {  	[smem:$0x3FB3] =	sst s10  }
0x38: {  	s10 =	sld [smem:$0x3FB4]  }
0x39: {  	_ = 	snop;
	(pc) =	sbr.ind lr, $3  }
0x3a: {  	_ = 	snop  }
0x3b: {  	_ = 	snop  }
0x3c: {  	p2 =	seq.s32 s10, $0x1;
	s10 =	sld [smem:$0x3FB3]  }
0x3d: {  	_ =	shalt  }
0x3e: {  	_ =	shalt  }
0x3f: {  	_ =	shalt  }
0x40: {  	_ =	shalt  }
0x41: {  	_ =	shalt  }
0x42: {  	_ =	shalt  }
0x43: {  	_ =	shalt  }
0x44: {  	_ =	shalt  }
0x45: {  	_ =	shalt  }
0x46: {  	_ =	shalt  }
0x47: {  	_ =	shalt  }
0x48: {  	_ =	shalt  }
0x49: {  	_ =	shalt  }
0x4a: {  	_ =	shalt  }
0x4b: {  	_ =	shalt  }
0x4c: {  	_ =	shalt  }
0x4d: {  	_ =	shalt  }
0x4e: {  	_ =	shalt  }
0x4f: {  	_ =	shalt  }
0x50: {  	_ =	shalt  }
0x51: {  	_ =	shalt  }
0x52: {  	_ =	shalt  }
0x53: {  	_ =	shalt  }
0x54: {  	_ =	shalt  }
0x55: {  	_ =	shalt  }
0x56: {  	_ =	shalt  }
0x57: {  	_ =	shalt  }
0x58: {  	_ =	shalt  }
0x59: {  	_ =	shalt  }
0x5a: {  	_ =	shalt  }
0x5b: {  	_ =	shalt  }
0x5c: {  	_ =	shalt  }
0x5d: {  	_ =	shalt  }
0x5e: {  	_ =	shalt  }
0x5f: {  	_ =	shalt  }
0x60: {  	_ =	shalt  }
0x61: {  	_ =	shalt  }
0x62: {  	_ =	shalt  }
0x63: {  	_ =	shalt  }
0x64: {  	_ =	shalt  }
0x65: {  	_ =	shalt  }
0x66: {  	_ =	shalt  }
0x67: {  	_ =	shalt  }
0x68: {  	_ =	shalt  }
0x69: {  	_ =	shalt  }
0x6a: {  	_ =	shalt  }
0x6b: {  	_ =	shalt  }
0x6c: {  	_ =	shalt  }
0x6d: {  	_ =	shalt  }
0x6e: {  	_ =	shalt  }
0x6f: {  	_ =	shalt  }
0x70: {  	_ =	shalt  }
0x71: {  	_ =	shalt  }
0x72: {  	_ =	shalt  }
0x73: {  	_ =	shalt  }
0x74: {  	_ =	shalt  }
0x75: {  	_ =	shalt  }
0x76: {  	_ =	shalt  }
0x77: {  	_ =	shalt  }
0x78: {  	_ =	shalt  }
0x79: {  	_ =	shalt  }
0x7a: {  	_ =	shalt  }
0x7b: {  	_ =	shalt  }
0x7c: {  	_ =	shalt  }
0x7d: {  	_ =	shalt  }
0x7e: {  	_ =	shalt  }
0x7f: {  	_ =	shalt  }
0x80: {  	_ =	shalt  }
0x81: {  	_ =	shalt  }
0x82: {  	_ =	shalt  }
0x83: {  	_ =	shalt  }
0x84: {  	_ =	shalt  }
0x85: {  	_ =	shalt  }
0x86: {  	_ =	shalt  }
0x87: {  	_ =	shalt  }
.Lfunc_end0:
.L_simem_size_0:
called_computation_lowered:
.L_overlay_start_0:
0x88: {  	s2 =	sld [smem:$0x3FD9]  }
0x89: {  	s3 =	sld [smem:$0x3FFE];
	_ =	sdelay $0x1  }
0x8a: {  	s1 =	srdreg.scid  }
0x8b: {  	s0 =	sand.u32 $0x1, s1  }
0x8c: {  	s17 =	sshll.u32 s0, $0xA;
	s2 =	sadd.s32 s3, s2  }
0x8d: {  	s2 =	sadd.s32 s2, s17  }
0x8e: {  	[smem:$0x3FBF] =	sst s2  }
0x8f: {  	_ = 	snop  }
0x90: {  	s2 =	sld [smem:$0x3FC7]  }
0x91: {  	s18 =	sld [smem:$0x3FD0];
	(tm) =	ssettm $0x1  }
0x92: {  	s4 =	sld [smem:$0x3FFB];
	_ =	sdelay $0x3  }
0x93: {  	_ =	strace s4  }
0x94: {  	s4 =	sld [smem:$0x3FFC];
	_ =	sdelay $0x3  }
0x95: {  	_ =	strace s4  }
0x96: {  	s4 =	sld [smem:$0x3FFD];
	_ =	sdelay $0x3  }
0x97: {  	_ =	strace s4  }
0x98: {  	_ =	strace $0x8FFFFFFF  }
0x99: {  	s19 =	sld [smem:$0x3FDB];
	_ =	sdelay $0x1  }
0x9a: {  	s5 =	simm.s32 $_scs_section_size  }
0x9b: {  	s6 =	simm.s32 $_size__tile_overlayer_lowered;
	s7 =	simm.s32 $_tile_overlayer_lowered  }
0x9c: {  	s22 =	simm.s32 $0x1BFF;
	s21 =	sshll.u32 s7, $0x1;
	s4 =	sadd.s32 s5, s19  }
0x9d: {  	s8 =	simm.s32 $0x0;
	s20 =	sshll.u32 s6, $0x1;
	s6 =	sadd.s32 s21, s4  }
0x9e: {  	[timem:s8], [sflag:s22] =	dma.local [hbm:s6], s20  }
0x9f: {  	_ =	swait.ge [sflag:s22], s20  }
0xa0: {  	s5 =	ssub.s32 $0x0, s20;
	[sflag:s22] =	ssyncset.done $0x0  }
0xa1: {  	[sflag:s22] =	ssyncadd.s32 s5;
	_ =	sdelay $0x1  }
0xa2: {  	s23 =	simm.s32 $0x1B8B  }
0xa3: {  	_ =	swait.ge [sflag:s23], $0x1  }
0xa4: {  	[sflag:s23] =	ssyncset.done $0x0  }
0xa5: {  	s25 =	simm.s32 $0x1B8E;
	s24 =	sld [smem:$0x3FFE];
	[sflag:s23] =	ssyncadd.s32 $0xFFFFFFFF  }
0xa6: {  	s26 =	simm.s32 $execute0_lowered;
	[smem:$0x3FD2] =	sst s25  }
0xa7: {  	s6 =	sshll.u32 s26, $0x1;
	_ =	strace $0x80000046;
	[dreg:$0x1] =	wrdreg $0xFFFFFFFF  }
0xa8: {  	s28 =	simm.s32 $_size_execute0_lowered;
	s4 =	sadd.s32 s4, s6;
	[dreg:$0x0] =	wrdreg $0x0  }
0xa9: {  	s6 =	sshll.u32 s28, $0x1;
	[dreg:$0x2] =	wrdreg s4  }
0xaa: {  	[dreg:$0x3] =	wrdreg s6  }
0xab: {  	[dreg:$0x4] =	wrdreg $0xC0  }
0xac: {  	_ =	task [dreg:s8], $0x5FFFF  }
0xad: {  	[dreg:$0x1] =	wrdreg $0xFFFFFFFF  }
0xae: {  	[dreg:$0x0] =	wrdreg $0x60  }
0xaf: {  	[dreg:$0x2] =	wrdreg s24  }
0xb0: {  	[dreg:$0x3] =	wrdreg s2  }
0xb1: {  	[dreg:$0x4] =	wrdreg s18  }
0xb2: {  	[dreg:$0x5] =	wrdreg $0x9  }
0xb3: {  	_ =	task.clear_ibuf [dreg:s8], $0x6FFFF;
	_ =	strace $0x90000046  }
0xb4: {  	s29 =	simm.s32 $0x9;
	_ =	strace $0x80000048  }
0xb5: {  	_ =	swait.ge [sflag:s29], $0x1  }
0xb6: {  	[sflag:s29] =	ssyncadd.s32 $0xFFFFFFFF  }
0xb7: {  	_ =	strace $0x90000048  }
0xb8: {  	_ =	sfence  }
0xb9: {  	s30 =	sld [smem:$0x0];
	_ =	sdelay $0x2  }
0xba: {  	s31 =	sshll.u32 s1, $0xD;
	s1 =	sshrl.u32 s1, $0x2  }
0xbb: {  	s3 =	sand.u32 $0x4000, s31;
	s1 =	sadd.s32 s1, s30  }
0xbc: {  	s0 =	sor.u32 s3, s0;
	s1 =	sshll.u32 s1, $0x11  }
0xbd: {  	s0 =	sor.u32 s1, s0  }
0xbe: {  	s0 =	sadd.s32 $0x8F2B, s0  }
0xbf: {  	[sflag:s0] =	ssyncadd.remote.s32 $0x1  }
0xc0: {  	_ =	sfence.sel $0xFFFF  }
0xc1: {  	[dreg:$0x0] =	wrdreg $0xFFFFFFFF;
	(pc) =	sbr.abs _section_cstart, $3  }
0xc2: {  	[dreg:$0x1] =	wrdreg $0xFFFFFFFF  }
0xc3: {  	_ =	task.clear_ibuf [dreg:s8], $0x2FFFF;
	_ =	strace $0x9FFFFFFF  }
0xc4: {  	(tm) =	ssettm $0x7FFFFFFF  }
0xc5: {  	_ =	shalt  }
tec
execute0_lowered:
.L_overlay_start_1:
0x0: {  	(tag) =	ssettag $0x1  }
0x1: {  	s3 =	rddreg [dreg:$0x0];
	s1 =	srdreg.scid  }
0x2: {  	s0 =	stileid.u32;
	s4 =	rddreg [dreg:$0x1]  }
0x3: {  	s6 =	rddreg [dreg:$0x2];
	s5 =	sand.u32 $0x1, s1;
	s31 =	sshll.u32 s0, $0x1  }
0x4: {  	s2 =	simm.s32 $0x0;
	s9 =	simm.s32 $0x4E20;
	s7 =	sor.u32 s5, s31  }
0x5: {  	s1 =	rddreg [dreg:$0x3];
	s5 =	ssub.s32 $0x2, s5;
	s7 =	smul.u32 $0x4E2, s7  }
0x6: {  	s10 =	simm.s32 $0x0;
	[smem:$0x7FF] =	sst s2;
	s8 =	sshrl.u32 s5, $0x1  }
0x7: {  	_ =	strace $0x80000047;
	s8 =	ssub.s32 s5, s8;
	s3 =	sadd.s32 s7, s3  }
0x8: {  	s4 =	sadd.s32 s4, s7;
	s5 =	sadd.s32 s6, s7;
	s6 =	smax.u32 s8, $0x1  }
0x9: {  	v0 =	vimm.f32 $0.0e+00;
	s7 =	simm.s32 $0x1;
	s8 =	simm.s32 $0x2710;
	s3 =	sadd.s32 $0x2400, s3  }
.LBB2_1:
0xa: {  	s11 =	simm.s32 $0x40;
	s12 =	simm.s32 $0x0  }
.LBB2_2:
0xb: {  	p0 =	sne.s32 s11, $0x9C00;
	[tilespmem:s12+$0x4E20] =	vst v0;
	s12 =	smov.u32 s11;
	s11 =	sadd.s32 $0x40, s11  }
.Ltmp0:
0xc: {  	(pc) =	sbr.rel @p0 .LBB2_2-.Ltmp0, $2  }
0xd: {  	_ =	sdelay $0x2  }
0xe: {  	s12 =	sshra.s32 s12, $0x2  }
0xf: {  	[tilespmem:s12+$0x4E20] =	vst v0;
	s11 =	simm.s32 $0x0  }
0x10: {  	[tilespmem:s11], [sflag:$0x1] =	stream.linear.gather [hbm4b:s3+s11], $0x2710, $0x38;
	[tilespmem:$0x7530] =	vst v63  }
0x11: {  	_ =	swait.ge [sflag:s7], $0x2710  }
0x12: {  	[sflag:s7] =	ssyncset.done $0x0  }
0x13: {  	[sflag:s7] =	ssyncadd.s32 $0xFFFFD8F0  }
0x14: {  	[tilespmem:s8], [sflag:$0x1] =	stream.linear.gather [hbm4b:s4+s11], $0x2710, $0x38;
	[tilespmem:$0x7530] =	vst v63  }
0x15: {  	_ =	swait.ge [sflag:s7], $0x2710  }
0x16: {  	[sflag:s7] =	ssyncset.done $0x0  }
0x17: {  	s12 =	simm.s32 $0x0;
	s11 =	simm.s32 $0x40;
	[sflag:s7] =	ssyncadd.s32 $0xFFFFD8F0  }
.LBB2_4:
0x18: {  	p0 =	sne.s32 s11, $0x9C00;
	v1 =	vld [tilespmem:s12+$0x0];
	_ =	sdelay $0x2  }
0x19: {  	v2 =	vld [tilespmem:s12+$0x2710]  }
.Ltmp1:
0x1a: {  	(pc) =	sbr.rel @p0 .LBB2_4-.Ltmp1, $2  }
0x1b: {  	_ =	sdelay $0x2  }
0x1c: {  	s12 =	sshra.s32 s11, $0x2;
	s11 =	sadd.s32 $0x40, s11;
	[tilespmem:v1+s9+$0x0] =	vst.idx.add.f32.msk $0xffff, v2  }
0x1d: {  	v1 =	vld [tilespmem:s12+$0x0];
	_ =	sdelay $0x2  }
0x1e: {  	v2 =	vld [tilespmem:s12+$0x2710];
	_ =	sdelay $0x2  }
0x1f: {  	s10 =	sadd.s32 $0x1, s10  }
0x20: {  	p0 =	sne.s32 s10, s6  }
.Ltmp2:
0x21: {  	[tilespmem:v1+s9+$0x0] =	vst.idx.add.f32.msk $0xffff, v2;
	(pc) =	sbr.rel @p0 .LBB2_1-.Ltmp2, $4  }
0x22: {  	[hbm4b:s5+s2] =	stream.linear.scatter [tilespmem:s9], [sflag:$0x1], $0x2710, $0x38;
	[tilespmem:$0x7530] =	vst v63  }
0x23: {  	_ =	swait.ge [sflag:s7], $0x2710  }
0x24: {  	[sflag:s7] =	ssyncset.done $0x0  }
0x25: {  	[sflag:s7] =	ssyncadd.s32 $0xFFFFD8F0  }
0x26: {  	_ =	sfence.sel $0x180000  }
0x27: {  	[bflag:$0x0] =	sbarrier.arrive $0xFFFF  }
0x28: {  	p0 =	sne.s32 s0, $0x0;
	_ =	strace $0x90000047  }
0x29: {  	s0 =	sadd.s32 @!p0 $0x100000, s1;
	[bflag:$0x2] =	sbarrier.arrive $0xFFFF  }
0x2a: {  	[sflag:s0] =	ssyncadd.tile.s32 @!p0 $0x1;
	_ =	shalt  }
.Lfunc_end2:
_tile_overlayer_lowered:
.L_overlay_start_2:
0x2b: {  	(tag) =	ssettag $0x2  }
0x2c: {  	s0 =	rddreg [dreg:$0x0];
	s2 =	stileid.u32  }
0x2d: {  	s1 =	rddreg [dreg:$0x1];
	p0 =	sne.s32 s2, $0x0  }
0x2e: {  	s3 =	rddreg [dreg:$0x2];
	[bflag:$0x3] =	sbarrier.arrive $0xFFFF;
	s2 =	simm.s32 @!p0 $0x1C01  }
0x2f: {  	[timem:s3], [sflag:s2] =	dma.local @!p0 [hbm:s0], s1  }
0x30: {  	s0 =	simm.s32 @!p0 $0x1  }
0x31: {  	_ =	swait.ge @!p0 [sflag:s0], s1  }
0x32: {  	s1 =	ssub.s32 @!p0 $0x0, s1;
	[sflag:s0] =	ssyncset.done @!p0 $0x0  }
0x33: {  	[sflag:s0] =	ssyncadd.s32 @!p0 s1  }
0x34: {  	[bflag:$0x3] =	sbarrier.arrive $0xFFFF  }
0x35: {  	_ =	shalt  }

</sc_bundles>
